<compile_context>
chip_gen: v7x
topology: tpu7x:2x2x1
jax: 0.10.2.dev20260603
libtpu: 0.0.44.dev20260713+nightly
codegen_flags: <defaults>
</compile_context>

<pallas_src>
import functools

import jax
import jax.numpy as jnp
from jax import lax
from jax.experimental import pallas as pl
from jax.experimental.pallas import tpu as pltpu
from jax.experimental.pallas import tpu_sc as plsc

_NC = 2
_NS = 16
_NW = _NC * _NS
_C = 128
_G = 4
_R = 1
_NBUF = _G


@functools.cache
def _emb_lookup(V, D, NCH):
    vmesh = plsc.VectorSubcoreMesh(core_axis_name="c", subcore_axis_name="s")
    smesh = plsc.ScalarSubcoreMesh(axis_name="c")
    ngroups = NCH // _G
    nrounds = ngroups * _R

    VMEM = pltpu.MemorySpace.VMEM
    SEM = pltpu.MemorySpace.SEMAPHORE
    dma_t = pltpu.SemaphoreType.DMA.dtype
    reg_t = pltpu.SemaphoreType.REGULAR.dtype

    scratch = [
        (VMEM @ vmesh)((NCH, _C), jnp.int32),
        (VMEM @ vmesh)((_NBUF, _C, D), jnp.float32),
        pltpu.VMEM_SHARED((_NS, _C, D), jnp.float32),
        (SEM @ vmesh)((_NBUF,), dma_t),
        (SEM @ vmesh)((_NBUF,), dma_t),
        (SEM @ vmesh)((), reg_t),
        (SEM @ smesh)((), reg_t),
        (SEM @ smesh)((), dma_t),
    ]

    def tec(idx_hbm, table_hbm, out_hbm, idx_v, rows_v, slots, gsem, osem,
            free_sem, full_sem, dsem):
        cid = lax.axis_index("c")
        sid = lax.axis_index("s")
        pltpu.sync_copy(idx_hbm.at[sid, cid], idx_v)

        for b in range(_NBUF):
            pltpu.async_copy(table_hbm.at[idx_v.at[b]], rows_v.at[b], gsem.at[b])

        def group(g, carry):
            base = g * _G
            @pl.when((g > 0) & (sid == 0))
            def _():
                pl.semaphore_wait(free_sem, 1)
            plsc.subcore_barrier()
            pltpu.make_async_copy(
                table_hbm.at[idx_v.at[base]], rows_v.at[0], gsem.at[0]
            ).wait()
            pltpu.async_copy(rows_v.at[0], slots.at[sid], osem.at[0])
            for b in range(1, _G):
                j = base + b
                pltpu.make_async_copy(
                    table_hbm.at[idx_v.at[j]], rows_v.at[b], gsem.at[b]
                ).wait()
                pltpu.async_copy(
                    rows_v.at[b], out_hbm.at[sid, cid, j], osem.at[b]
                )
                if b == 1:
                    pltpu.make_async_copy(
                        rows_v.at[0], slots.at[sid], osem.at[0]
                    ).wait()
                    pl.semaphore_signal(full_sem, 1)
                    @pl.when(g < ngroups - 1)
                    def _():
                        pltpu.async_copy(
                            table_hbm.at[idx_v.at[base + _G]],
                            rows_v.at[0],
                            gsem.at[0],
                        )

            @pl.when(g < ngroups - 1)
            def _():
                for b in range(1, _G):
                    pltpu.make_async_copy(
                        rows_v.at[b], out_hbm.at[sid, cid, base + b],
                        osem.at[b],
                    ).wait()
                    pltpu.async_copy(
                        table_hbm.at[idx_v.at[base + _G + b]],
                        rows_v.at[b],
                        gsem.at[b],
                    )

            return carry

        lax.fori_loop(0, ngroups, group, 0)

        last = (ngroups - 1) * _G
        for b in range(1, _G):
            pltpu.make_async_copy(
                rows_v.at[b], out_hbm.at[sid, cid, last + b], osem.at[b]
            ).wait()
        @pl.when(sid == 0)
        def _():
            pl.semaphore_wait(free_sem, 1)

    def scs(idx_hbm, table_hbm, out_hbm, idx_v, rows_v, slots, gsem, osem,
            free_sem, full_sem, dsem):
        cid = lax.axis_index("c")

        def rnd(r, carry):
            g = r // _R
            j = g * _G
            pl.semaphore_wait(full_sem, _NS)
            pltpu.async_copy(slots, out_hbm.at[:, cid, j], dsem)
            pltpu.make_async_copy(slots, out_hbm.at[:, cid, j], dsem).wait()
            pl.semaphore_signal(free_sem, 1, device_id={"s": 0})
            return carry

        lax.fori_loop(0, nrounds, rnd, 0)

    return pl.kernel(
        body=[tec, scs],
        mesh=[vmesh, smesh],
        out_type=jax.ShapeDtypeStruct((_NS, _NC, NCH, _C, D), jnp.float32),
        scratch_types=scratch,
    )


def kernel(x, embedding):
    V, D = embedding.shape
    idx = x.reshape(_NS, _NC, -1, _C).astype(jnp.int32)
    NCH = idx.shape[2]
    out = _emb_lookup(V, D, NCH)(idx, embedding)
    return out.reshape(*x.shape, D)

# --- scband reference (transcript-rebuilt; emitter-appended) ---
"""Pipeline reference for scband-t5-style-model-21345987461607 (READ-ONLY COPY).

The authoritative reference and input builder live on the scoring server;
editing this copy changes nothing except your own understanding.
"""

import jax, jax.numpy as jnp
import numpy as np

VOCAB = 32128
EMBED_DIM = 128


def setup_inputs(seed: int = 0) -> dict:
    key = jax.random.key(seed)
    k1, k2 = jax.random.split(key)
    x = jax.random.randint(k1, (4096, 200), 0, VOCAB)
    embedding = jax.random.normal(k2, (VOCAB, EMBED_DIM), dtype=jnp.float32)
    return {"x": x, "embedding": embedding}


def reference(x, embedding):
    # Faithful translation of T5StyleModel.forward: only the embedding lookup
    # (encoder/decoder are constructed but unused in forward).
    return jnp.take(embedding, x, axis=0)

if __name__ == "__main__":
    import jax
    _d = setup_inputs()
    print(jax.jit(kernel)(*tuple(_d.values())))

</pallas_src>

<mosaic_0001>
#map = affine_map<(d0, d1) -> (0, 0, 0, 0)>
#map1 = affine_map<(d0, d1) -> (0, 0)>
#map2 = affine_map<(d0, d1) -> (0, 0, 0, 0, 0)>
#map3 = affine_map<(d0) -> (0, 0, 0, 0)>
#map4 = affine_map<(d0) -> (0, 0)>
#map5 = affine_map<(d0) -> (0, 0, 0, 0, 0)>
module attributes {stable_mosaic.version = 14 : i64} {
  func.func @tec(%arg0: i32, %arg1: i32, %arg2: memref<16x2x200x128xi32, #tpu.memory_space<hbm>>, %arg3: memref<32128x128xf32, #tpu.memory_space<hbm>>, %arg4: memref<16x2x200x128x128xf32, #tpu.memory_space<hbm>>, %arg5: memref<200x128xi32, #tpu.memory_space<vmem>>, %arg6: memref<4x128x128xf32, #tpu.memory_space<vmem>>, %arg7: memref<16x128x128xf32, #tpu.memory_space<vmem_shared>>, %arg8: memref<4x!tpu.dma_semaphore, #tpu.memory_space<semaphore_mem>>, %arg9: memref<4x!tpu.dma_semaphore, #tpu.memory_space<semaphore_mem>>, %arg10: memref<!tpu.semaphore, #tpu.memory_space<semaphore_mem>>, %arg11: memref<!tpu.semaphore, #tpu.memory_space<semaphore_mem, sc_scalar_subcore>>, %arg12: memref<!tpu.dma_semaphore, #tpu.memory_space<semaphore_mem, sc_scalar_subcore>>) attributes {dimension_semantics = [#tpu.dimension_semantics<core_parallel>, #tpu.dimension_semantics<subcore_parallel>], iteration_bounds = array<i64: 2, 16>, scalar_prefetch = 0 : i64, scratch_operands = 8 : i64, tpu.core_type = #tpu.core_type<sc_vector_subcore>, window_params = [{transform_indices = #map}, {transform_indices = #map1}, {transform_indices = #map2}]} {
    "tpu.region"() ({
      %run_scoped3A = tpu.sem_alloc : memref<!tpu.dma_semaphore, #tpu.memory_space<semaphore_mem>>
      %dma_start3A_128 = arith.constant 0 : i32
      %dma_start3A_129 = arith.constant 0 : i32
      %dma_start3A_130 = tpu.memref_slice %arg2[%arg1, %arg0, %dma_start3A_128, %dma_start3A_129] : memref<16x2x200x128xi32, #tpu.memory_space<hbm>> -> memref<1x1x200x128xi32, #tpu.memory_space<hbm>>
      %dma_start3A_131 = tpu.memref_squeeze %dma_start3A_130 : memref<1x1x200x128xi32, #tpu.memory_space<hbm>> -> memref<200x128xi32, #tpu.memory_space<hbm>>
      %dma_start3A_132 = arith.constant 0 : i32
      %dma_start3A_133 = arith.constant 0 : i32
      %dma_start3A_134 = tpu.memref_slice %arg2[%arg1, %arg0, %dma_start3A_132, %dma_start3A_133] : memref<16x2x200x128xi32, #tpu.memory_space<hbm>> -> memref<1x1x200x128xi32, #tpu.memory_space<hbm>>
      %dma_start3A_135 = tpu.memref_squeeze %dma_start3A_134 : memref<1x1x200x128xi32, #tpu.memory_space<hbm>> -> memref<200x128xi32, #tpu.memory_space<hbm>>
      tpu.enqueue_dma source(%dma_start3A_135 : memref<200x128xi32, #tpu.memory_space<hbm>>) target(%arg5 : memref<200x128xi32, #tpu.memory_space<vmem>>) target_semaphore(%run_scoped3A : memref<!tpu.dma_semaphore, #tpu.memory_space<semaphore_mem>>)
      %dma_wait3A_136 = arith.constant 0 : i32
      %dma_wait3A_137 = arith.constant 0 : i32
      %dma_wait3A_138 = tpu.memref_slice %arg2[%arg1, %arg0, %dma_wait3A_136, %dma_wait3A_137] : memref<16x2x200x128xi32, #tpu.memory_space<hbm>> -> memref<1x1x200x128xi32, #tpu.memory_space<hbm>>
      %dma_wait3A_139 = tpu.memref_squeeze %dma_wait3A_138 : memref<1x1x200x128xi32, #tpu.memory_space<hbm>> -> memref<200x128xi32, #tpu.memory_space<hbm>>
      %dma_wait3A_140 = arith.constant 0 : i32
      %dma_wait3A_141 = arith.constant 0 : i32
      %dma_wait3A_142 = tpu.memref_slice %arg2[%arg1, %arg0, %dma_wait3A_140, %dma_wait3A_141] : memref<16x2x200x128xi32, #tpu.memory_space<hbm>> -> memref<1x1x200x128xi32, #tpu.memory_space<hbm>>
      %dma_wait3A_143 = tpu.memref_squeeze %dma_wait3A_142 : memref<1x1x200x128xi32, #tpu.memory_space<hbm>> -> memref<200x128xi32, #tpu.memory_space<hbm>>
      tpu.wait_dma2 semaphore(%run_scoped3A : memref<!tpu.dma_semaphore, #tpu.memory_space<semaphore_mem>>) src(%dma_wait3A_143 : memref<200x128xi32, #tpu.memory_space<hbm>>) dst(%arg5 : memref<200x128xi32, #tpu.memory_space<vmem>>)
      tpu.yield
    }) : () -> ()
    %dma_start3A = arith.constant 0 : i32
    %dma_start3A_0 = arith.constant 0 : i32
    %dma_start3A_1 = arith.constant 0 : i32
    %dma_start3A_2 = arith.constant 0 : i32
    %dma_start3A_3 = arith.constant 0 : i32
    %dma_start3A_4 = tpu.memref_slice %arg6[%dma_start3A_0, %dma_start3A_2, %dma_start3A_3] : memref<4x128x128xf32, #tpu.memory_space<vmem>> -> memref<1x128x128xf32, #tpu.memory_space<vmem>>
    %dma_start3A_5 = tpu.memref_squeeze %dma_start3A_4 : memref<1x128x128xf32, #tpu.memory_space<vmem>> -> memref<128x128xf32, #tpu.memory_space<vmem>>
    %dma_start3A_6 = arith.constant 0 : i32
    %dma_start3A_7 = tpu.memref_slice %arg5[%dma_start3A, %dma_start3A_6] : memref<200x128xi32, #tpu.memory_space<vmem>> -> memref<1x128xi32, #tpu.memory_space<vmem>>
    %dma_start3A_8 = tpu.memref_squeeze %dma_start3A_7 : memref<1x128xi32, #tpu.memory_space<vmem>> -> memref<128xi32, #tpu.memory_space<vmem>>
    %dma_start3A_9 = arith.constant 0 : i32
    %dma_start3A_10 = arith.constant 0 : i32
    %dma_start3A_11 = tpu.memref_slice %arg3[%dma_start3A_9, %dma_start3A_10] : memref<32128x128xf32, #tpu.memory_space<hbm>> -> memref<32128x128xf32, #tpu.memory_space<hbm>>
    %dma_start3A_12 = tpu.memref_slice %arg8[%dma_start3A_1] : memref<4x!tpu.dma_semaphore, #tpu.memory_space<semaphore_mem>> -> memref<1x!tpu.dma_semaphore, #tpu.memory_space<semaphore_mem>>
    %dma_start3A_13 = tpu.memref_squeeze %dma_start3A_12 : memref<1x!tpu.dma_semaphore, #tpu.memory_space<semaphore_mem>> -> memref<!tpu.dma_semaphore, #tpu.memory_space<semaphore_mem>>
    tpu.enqueue_indirect_dma source(%dma_start3A_11 : memref<32128x128xf32, #tpu.memory_space<hbm>>) target(%dma_start3A_5 : memref<128x128xf32, #tpu.memory_space<vmem>>) offsets(%dma_start3A_8 : memref<128xi32, #tpu.memory_space<vmem>>) semaphore(%dma_start3A_13 : memref<!tpu.dma_semaphore, #tpu.memory_space<semaphore_mem>>)
    %dma_start3A_14 = arith.constant 1 : i32
    %dma_start3A_15 = arith.constant 1 : i32
    %dma_start3A_16 = arith.constant 1 : i32
    %dma_start3A_17 = arith.constant 0 : i32
    %dma_start3A_18 = arith.constant 0 : i32
    %dma_start3A_19 = tpu.memref_slice %arg6[%dma_start3A_15, %dma_start3A_17, %dma_start3A_18] : memref<4x128x128xf32, #tpu.memory_space<vmem>> -> memref<1x128x128xf32, #tpu.memory_space<vmem>>
    %dma_start3A_20 = tpu.memref_squeeze %dma_start3A_19 : memref<1x128x128xf32, #tpu.memory_space<vmem>> -> memref<128x128xf32, #tpu.memory_space<vmem>>
    %dma_start3A_21 = arith.constant 0 : i32
    %dma_start3A_22 = tpu.memref_slice %arg5[%dma_start3A_14, %dma_start3A_21] : memref<200x128xi32, #tpu.memory_space<vmem>> -> memref<1x128xi32, #tpu.memory_space<vmem>>
    %dma_start3A_23 = tpu.memref_squeeze %dma_start3A_22 : memref<1x128xi32, #tpu.memory_space<vmem>> -> memref<128xi32, #tpu.memory_space<vmem>>
    %dma_start3A_24 = arith.constant 0 : i32
    %dma_start3A_25 = arith.constant 0 : i32
    %dma_start3A_26 = tpu.memref_slice %arg3[%dma_start3A_24, %dma_start3A_25] : memref<32128x128xf32, #tpu.memory_space<hbm>> -> memref<32128x128xf32, #tpu.memory_space<hbm>>
    %dma_start3A_27 = tpu.memref_slice %arg8[%dma_start3A_16] : memref<4x!tpu.dma_semaphore, #tpu.memory_space<semaphore_mem>> -> memref<1x!tpu.dma_semaphore, #tpu.memory_space<semaphore_mem>>
    %dma_start3A_28 = tpu.memref_squeeze %dma_start3A_27 : memref<1x!tpu.dma_semaphore, #tpu.memory_space<semaphore_mem>> -> memref<!tpu.dma_semaphore, #tpu.memory_space<semaphore_mem>>
    tpu.enqueue_indirect_dma source(%dma_start3A_26 : memref<32128x128xf32, #tpu.memory_space<hbm>>) target(%dma_start3A_20 : memref<128x128xf32, #tpu.memory_space<vmem>>) offsets(%dma_start3A_23 : memref<128xi32, #tpu.memory_space<vmem>>) semaphore(%dma_start3A_28 : memref<!tpu.dma_semaphore, #tpu.memory_space<semaphore_mem>>)
    %dma_start3A_29 = arith.constant 2 : i32
    %dma_start3A_30 = arith.constant 2 : i32
    %dma_start3A_31 = arith.constant 2 : i32
    %dma_start3A_32 = arith.constant 0 : i32
    %dma_start3A_33 = arith.constant 0 : i32
    %dma_start3A_34 = tpu.memref_slice %arg6[%dma_start3A_30, %dma_start3A_32, %dma_start3A_33] : memref<4x128x128xf32, #tpu.memory_space<vmem>> -> memref<1x128x128xf32, #tpu.memory_space<vmem>>
    %dma_start3A_35 = tpu.memref_squeeze %dma_start3A_34 : memref<1x128x128xf32, #tpu.memory_space<vmem>> -> memref<128x128xf32, #tpu.memory_space<vmem>>
    %dma_start3A_36 = arith.constant 0 : i32
    %dma_start3A_37 = tpu.memref_slice %arg5[%dma_start3A_29, %dma_start3A_36] : memref<200x128xi32, #tpu.memory_space<vmem>> -> memref<1x128xi32, #tpu.memory_space<vmem>>
    %dma_start3A_38 = tpu.memref_squeeze %dma_start3A_37 : memref<1x128xi32, #tpu.memory_space<vmem>> -> memref<128xi32, #tpu.memory_space<vmem>>
    %dma_start3A_39 = arith.constant 0 : i32
    %dma_start3A_40 = arith.constant 0 : i32
    %dma_start3A_41 = tpu.memref_slice %arg3[%dma_start3A_39, %dma_start3A_40] : memref<32128x128xf32, #tpu.memory_space<hbm>> -> memref<32128x128xf32, #tpu.memory_space<hbm>>
    %dma_start3A_42 = tpu.memref_slice %arg8[%dma_start3A_31] : memref<4x!tpu.dma_semaphore, #tpu.memory_space<semaphore_mem>> -> memref<1x!tpu.dma_semaphore, #tpu.memory_space<semaphore_mem>>
    %dma_start3A_43 = tpu.memref_squeeze %dma_start3A_42 : memref<1x!tpu.dma_semaphore, #tpu.memory_space<semaphore_mem>> -> memref<!tpu.dma_semaphore, #tpu.memory_space<semaphore_mem>>
    tpu.enqueue_indirect_dma source(%dma_start3A_41 : memref<32128x128xf32, #tpu.memory_space<hbm>>) target(%dma_start3A_35 : memref<128x128xf32, #tpu.memory_space<vmem>>) offsets(%dma_start3A_38 : memref<128xi32, #tpu.memory_space<vmem>>) semaphore(%dma_start3A_43 : memref<!tpu.dma_semaphore, #tpu.memory_space<semaphore_mem>>)
    %dma_start3A_44 = arith.constant 3 : i32
    %dma_start3A_45 = arith.constant 3 : i32
    %dma_start3A_46 = arith.constant 3 : i32
    %dma_start3A_47 = arith.constant 0 : i32
    %dma_start3A_48 = arith.constant 0 : i32
    %dma_start3A_49 = tpu.memref_slice %arg6[%dma_start3A_45, %dma_start3A_47, %dma_start3A_48] : memref<4x128x128xf32, #tpu.memory_space<vmem>> -> memref<1x128x128xf32, #tpu.memory_space<vmem>>
    %dma_start3A_50 = tpu.memref_squeeze %dma_start3A_49 : memref<1x128x128xf32, #tpu.memory_space<vmem>> -> memref<128x128xf32, #tpu.memory_space<vmem>>
    %dma_start3A_51 = arith.constant 0 : i32
    %dma_start3A_52 = tpu.memref_slice %arg5[%dma_start3A_44, %dma_start3A_51] : memref<200x128xi32, #tpu.memory_space<vmem>> -> memref<1x128xi32, #tpu.memory_space<vmem>>
    %dma_start3A_53 = tpu.memref_squeeze %dma_start3A_52 : memref<1x128xi32, #tpu.memory_space<vmem>> -> memref<128xi32, #tpu.memory_space<vmem>>
    %dma_start3A_54 = arith.constant 0 : i32
    %dma_start3A_55 = arith.constant 0 : i32
    %dma_start3A_56 = tpu.memref_slice %arg3[%dma_start3A_54, %dma_start3A_55] : memref<32128x128xf32, #tpu.memory_space<hbm>> -> memref<32128x128xf32, #tpu.memory_space<hbm>>
    %dma_start3A_57 = tpu.memref_slice %arg8[%dma_start3A_46] : memref<4x!tpu.dma_semaphore, #tpu.memory_space<semaphore_mem>> -> memref<1x!tpu.dma_semaphore, #tpu.memory_space<semaphore_mem>>
    %dma_start3A_58 = tpu.memref_squeeze %dma_start3A_57 : memref<1x!tpu.dma_semaphore, #tpu.memory_space<semaphore_mem>> -> memref<!tpu.dma_semaphore, #tpu.memory_space<semaphore_mem>>
    tpu.enqueue_indirect_dma source(%dma_start3A_56 : memref<32128x128xf32, #tpu.memory_space<hbm>>) target(%dma_start3A_50 : memref<128x128xf32, #tpu.memory_space<vmem>>) offsets(%dma_start3A_53 : memref<128xi32, #tpu.memory_space<vmem>>) semaphore(%dma_start3A_58 : memref<!tpu.dma_semaphore, #tpu.memory_space<semaphore_mem>>)
    %scan3A = arith.constant 0 : i32
    %scan3A_59 = arith.constant 0 : i32
    %scan3A_60 = arith.constant 50 : i32
    %scan3A_61 = arith.addi %scan3A_59, %scan3A_60 : i32
    %scan3A_62 = arith.constant 1 : i32
    scf.for %scan3A_128 = %scan3A_59 to %scan3A_61 step %scan3A_62  : i32 {
      %mul3A = arith.constant 4 : i32
      %mul3A_129 = arith.muli %scan3A_128, %mul3A : i32
      %gt3A = arith.constant 0 : i32
      %gt3A_130 = arith.cmpi sgt, %scan3A_128, %gt3A : i32
      %eq3A_131 = arith.constant 0 : i32
      %eq3A_132 = arith.cmpi eq, %arg1, %eq3A_131 : i32
      %and3A = arith.andi %gt3A_130, %eq3A_132 : i1
      %convert_element_type3A_133 = arith.extui %and3A : i1 to i32
      %cond3A_134 = arith.constant 0 : i32
      %cond3A_135 = arith.cmpi ne, %convert_element_type3A_133, %cond3A_134 : i32
      scf.if %cond3A_135 {
        %semaphore_wait3A = arith.constant 1 : i32
        %semaphore_wait3A_306 = arith.constant true
        tpu.sem_wait %arg10, %semaphore_wait3A : memref<!tpu.semaphore, #tpu.memory_space<semaphore_mem>>
      } else {
      }
      %barrier3A = arith.constant 0 : index
      tpu.barrier barrier_id(%barrier3A)
      %dma_wait3A_136 = arith.constant 0 : i32
      %dma_wait3A_137 = arith.constant 0 : i32
      %dma_wait3A_138 = arith.constant 0 : i32
      %dma_wait3A_139 = arith.constant 0 : i32
      %dma_wait3A_140 = tpu.memref_slice %arg6[%dma_wait3A_136, %dma_wait3A_138, %dma_wait3A_139] : memref<4x128x128xf32, #tpu.memory_space<vmem>> -> memref<1x128x128xf32, #tpu.memory_space<vmem>>
      %dma_wait3A_141 = tpu.memref_squeeze %dma_wait3A_140 : memref<1x128x128xf32, #tpu.memory_space<vmem>> -> memref<128x128xf32, #tpu.memory_space<vmem>>
      %dma_wait3A_142 = arith.constant 0 : i32
      %dma_wait3A_143 = tpu.memref_slice %arg5[%mul3A_129, %dma_wait3A_142] : memref<200x128xi32, #tpu.memory_space<vmem>> -> memref<1x128xi32, #tpu.memory_space<vmem>>
      %dma_wait3A_144 = tpu.memref_squeeze %dma_wait3A_143 : memref<1x128xi32, #tpu.memory_space<vmem>> -> memref<128xi32, #tpu.memory_space<vmem>>
      %dma_wait3A_145 = arith.constant 0 : i32
      %dma_wait3A_146 = arith.constant 0 : i32
      %dma_wait3A_147 = tpu.memref_slice %arg3[%dma_wait3A_145, %dma_wait3A_146] : memref<32128x128xf32, #tpu.memory_space<hbm>> -> memref<32128x128xf32, #tpu.memory_space<hbm>>
      %dma_wait3A_148 = tpu.memref_slice %arg8[%dma_wait3A_137] : memref<4x!tpu.dma_semaphore, #tpu.memory_space<semaphore_mem>> -> memref<1x!tpu.dma_semaphore, #tpu.memory_space<semaphore_mem>>
      %dma_wait3A_149 = tpu.memref_squeeze %dma_wait3A_148 : memref<1x!tpu.dma_semaphore, #tpu.memory_space<semaphore_mem>> -> memref<!tpu.dma_semaphore, #tpu.memory_space<semaphore_mem>>
      tpu.wait_indirect_dma semaphore(%dma_wait3A_149 : memref<!tpu.dma_semaphore, #tpu.memory_space<semaphore_mem>>) src(%dma_wait3A_147 : memref<32128x128xf32, #tpu.memory_space<hbm>>) dst(%dma_wait3A_141 : memref<128x128xf32, #tpu.memory_space<vmem>>)
      %dma_start3A_150 = arith.constant 0 : i32
      %dma_start3A_151 = arith.constant 0 : i32
      %dma_start3A_152 = arith.constant 0 : i32
      %dma_start3A_153 = arith.constant 0 : i32
      %dma_start3A_154 = tpu.memref_slice %arg6[%dma_start3A_150, %dma_start3A_152, %dma_start3A_153] : memref<4x128x128xf32, #tpu.memory_space<vmem>> -> memref<1x128x128xf32, #tpu.memory_space<vmem>>
      %dma_start3A_155 = tpu.memref_squeeze %dma_start3A_154 : memref<1x128x128xf32, #tpu.memory_space<vmem>> -> memref<128x128xf32, #tpu.memory_space<vmem>>
      %dma_start3A_156 = arith.constant 0 : i32
      %dma_start3A_157 = arith.constant 0 : i32
      %dma_start3A_158 = tpu.memref_slice %arg7[%arg1, %dma_start3A_156, %dma_start3A_157] : memref<16x128x128xf32, #tpu.memory_space<vmem_shared>> -> memref<1x128x128xf32, #tpu.memory_space<vmem_shared>>
      %dma_start3A_159 = tpu.memref_squeeze %dma_start3A_158 : memref<1x128x128xf32, #tpu.memory_space<vmem_shared>> -> memref<128x128xf32, #tpu.memory_space<vmem_shared>>
      %dma_start3A_160 = tpu.memref_slice %arg9[%dma_start3A_151] : memref<4x!tpu.dma_semaphore, #tpu.memory_space<semaphore_mem>> -> memref<1x!tpu.dma_semaphore, #tpu.memory_space<semaphore_mem>>
      %dma_start3A_161 = tpu.memref_squeeze %dma_start3A_160 : memref<1x!tpu.dma_semaphore, #tpu.memory_space<semaphore_mem>> -> memref<!tpu.dma_semaphore, #tpu.memory_space<semaphore_mem>>
      %dma_start3A_162 = arith.constant 0 : i32
      %dma_start3A_163 = arith.constant 0 : i32
      %dma_start3A_164 = tpu.memref_slice %arg7[%arg1, %dma_start3A_162, %dma_start3A_163] : memref<16x128x128xf32, #tpu.memory_space<vmem_shared>> -> memref<1x128x128xf32, #tpu.memory_space<vmem_shared>>
      %dma_start3A_165 = tpu.memref_squeeze %dma_start3A_164 : memref<1x128x128xf32, #tpu.memory_space<vmem_shared>> -> memref<128x128xf32, #tpu.memory_space<vmem_shared>>
      %dma_start3A_166 = arith.constant 0 : i32
      %dma_start3A_167 = arith.constant 0 : i32
      %dma_start3A_168 = tpu.memref_slice %arg6[%dma_start3A_150, %dma_start3A_166, %dma_start3A_167] : memref<4x128x128xf32, #tpu.memory_space<vmem>> -> memref<1x128x128xf32, #tpu.memory_space<vmem>>
      %dma_start3A_169 = tpu.memref_squeeze %dma_start3A_168 : memref<1x128x128xf32, #tpu.memory_space<vmem>> -> memref<128x128xf32, #tpu.memory_space<vmem>>
      tpu.enqueue_dma source(%dma_start3A_169 : memref<128x128xf32, #tpu.memory_space<vmem>>) target(%dma_start3A_165 : memref<128x128xf32, #tpu.memory_space<vmem_shared>>) target_semaphore(%dma_start3A_161 : memref<!tpu.dma_semaphore, #tpu.memory_space<semaphore_mem>>)
      %add3A = arith.constant 1 : i32
      %add3A_170 = arith.addi %mul3A_129, %add3A : i32
      %dma_wait3A_171 = arith.constant 1 : i32
      %dma_wait3A_172 = arith.constant 1 : i32
      %dma_wait3A_173 = arith.constant 0 : i32
      %dma_wait3A_174 = arith.constant 0 : i32
      %dma_wait3A_175 = tpu.memref_slice %arg6[%dma_wait3A_171, %dma_wait3A_173, %dma_wait3A_174] : memref<4x128x128xf32, #tpu.memory_space<vmem>> -> memref<1x128x128xf32, #tpu.memory_space<vmem>>
      %dma_wait3A_176 = tpu.memref_squeeze %dma_wait3A_175 : memref<1x128x128xf32, #tpu.memory_space<vmem>> -> memref<128x128xf32, #tpu.memory_space<vmem>>
      %dma_wait3A_177 = arith.constant 0 : i32
      %dma_wait3A_178 = tpu.memref_slice %arg5[%add3A_170, %dma_wait3A_177] : memref<200x128xi32, #tpu.memory_space<vmem>> -> memref<1x128xi32, #tpu.memory_space<vmem>>
      %dma_wait3A_179 = tpu.memref_squeeze %dma_wait3A_178 : memref<1x128xi32, #tpu.memory_space<vmem>> -> memref<128xi32, #tpu.memory_space<vmem>>
      %dma_wait3A_180 = arith.constant 0 : i32
      %dma_wait3A_181 = arith.constant 0 : i32
      %dma_wait3A_182 = tpu.memref_slice %arg3[%dma_wait3A_180, %dma_wait3A_181] : memref<32128x128xf32, #tpu.memory_space<hbm>> -> memref<32128x128xf32, #tpu.memory_space<hbm>>
      %dma_wait3A_183 = tpu.memref_slice %arg8[%dma_wait3A_172] : memref<4x!tpu.dma_semaphore, #tpu.memory_space<semaphore_mem>> -> memref<1x!tpu.dma_semaphore, #tpu.memory_space<semaphore_mem>>
      %dma_wait3A_184 = tpu.memref_squeeze %dma_wait3A_183 : memref<1x!tpu.dma_semaphore, #tpu.memory_space<semaphore_mem>> -> memref<!tpu.dma_semaphore, #tpu.memory_space<semaphore_mem>>
      tpu.wait_indirect_dma semaphore(%dma_wait3A_184 : memref<!tpu.dma_semaphore, #tpu.memory_space<semaphore_mem>>) src(%dma_wait3A_182 : memref<32128x128xf32, #tpu.memory_space<hbm>>) dst(%dma_wait3A_176 : memref<128x128xf32, #tpu.memory_space<vmem>>)
      %dma_start3A_185 = arith.constant 1 : i32
      %dma_start3A_186 = arith.constant 1 : i32
      %dma_start3A_187 = arith.constant 0 : i32
      %dma_start3A_188 = arith.constant 0 : i32
      %dma_start3A_189 = tpu.memref_slice %arg6[%dma_start3A_185, %dma_start3A_187, %dma_start3A_188] : memref<4x128x128xf32, #tpu.memory_space<vmem>> -> memref<1x128x128xf32, #tpu.memory_space<vmem>>
      %dma_start3A_190 = tpu.memref_squeeze %dma_start3A_189 : memref<1x128x128xf32, #tpu.memory_space<vmem>> -> memref<128x128xf32, #tpu.memory_space<vmem>>
      %dma_start3A_191 = arith.constant 0 : i32
      %dma_start3A_192 = arith.constant 0 : i32
      %dma_start3A_193 = tpu.memref_slice %arg4[%arg1, %arg0, %add3A_170, %dma_start3A_191, %dma_start3A_192] : memref<16x2x200x128x128xf32, #tpu.memory_space<hbm>> -> memref<1x1x1x128x128xf32, #tpu.memory_space<hbm>>
      %dma_start3A_194 = tpu.memref_squeeze %dma_start3A_193 : memref<1x1x1x128x128xf32, #tpu.memory_space<hbm>> -> memref<128x128xf32, #tpu.memory_space<hbm>>
      %dma_start3A_195 = tpu.memref_slice %arg9[%dma_start3A_186] : memref<4x!tpu.dma_semaphore, #tpu.memory_space<semaphore_mem>> -> memref<1x!tpu.dma_semaphore, #tpu.memory_space<semaphore_mem>>
      %dma_start3A_196 = tpu.memref_squeeze %dma_start3A_195 : memref<1x!tpu.dma_semaphore, #tpu.memory_space<semaphore_mem>> -> memref<!tpu.dma_semaphore, #tpu.memory_space<semaphore_mem>>
      %dma_start3A_197 = arith.constant 0 : i32
      %dma_start3A_198 = arith.constant 0 : i32
      %dma_start3A_199 = tpu.memref_slice %arg4[%arg1, %arg0, %add3A_170, %dma_start3A_197, %dma_start3A_198] : memref<16x2x200x128x128xf32, #tpu.memory_space<hbm>> -> memref<1x1x1x128x128xf32, #tpu.memory_space<hbm>>
      %dma_start3A_200 = tpu.memref_squeeze %dma_start3A_199 : memref<1x1x1x128x128xf32, #tpu.memory_space<hbm>> -> memref<128x128xf32, #tpu.memory_space<hbm>>
      %dma_start3A_201 = arith.constant 0 : i32
      %dma_start3A_202 = arith.constant 0 : i32
      %dma_start3A_203 = tpu.memref_slice %arg6[%dma_start3A_185, %dma_start3A_201, %dma_start3A_202] : memref<4x128x128xf32, #tpu.memory_space<vmem>> -> memref<1x128x128xf32, #tpu.memory_space<vmem>>
      %dma_start3A_204 = tpu.memref_squeeze %dma_start3A_203 : memref<1x128x128xf32, #tpu.memory_space<vmem>> -> memref<128x128xf32, #tpu.memory_space<vmem>>
      tpu.enqueue_dma source(%dma_start3A_204 : memref<128x128xf32, #tpu.memory_space<vmem>>) target(%dma_start3A_200 : memref<128x128xf32, #tpu.memory_space<hbm>>) target_semaphore(%dma_start3A_196 : memref<!tpu.dma_semaphore, #tpu.memory_space<semaphore_mem>>)
      %dma_wait3A_205 = arith.constant 0 : i32
      %dma_wait3A_206 = arith.constant 0 : i32
      %dma_wait3A_207 = arith.constant 0 : i32
      %dma_wait3A_208 = arith.constant 0 : i32
      %dma_wait3A_209 = tpu.memref_slice %arg6[%dma_wait3A_205, %dma_wait3A_207, %dma_wait3A_208] : memref<4x128x128xf32, #tpu.memory_space<vmem>> -> memref<1x128x128xf32, #tpu.memory_space<vmem>>
      %dma_wait3A_210 = tpu.memref_squeeze %dma_wait3A_209 : memref<1x128x128xf32, #tpu.memory_space<vmem>> -> memref<128x128xf32, #tpu.memory_space<vmem>>
      %dma_wait3A_211 = arith.constant 0 : i32
      %dma_wait3A_212 = arith.constant 0 : i32
      %dma_wait3A_213 = tpu.memref_slice %arg7[%arg1, %dma_wait3A_211, %dma_wait3A_212] : memref<16x128x128xf32, #tpu.memory_space<vmem_shared>> -> memref<1x128x128xf32, #tpu.memory_space<vmem_shared>>
      %dma_wait3A_214 = tpu.memref_squeeze %dma_wait3A_213 : memref<1x128x128xf32, #tpu.memory_space<vmem_shared>> -> memref<128x128xf32, #tpu.memory_space<vmem_shared>>
      %dma_wait3A_215 = tpu.memref_slice %arg9[%dma_wait3A_206] : memref<4x!tpu.dma_semaphore, #tpu.memory_space<semaphore_mem>> -> memref<1x!tpu.dma_semaphore, #tpu.memory_space<semaphore_mem>>
      %dma_wait3A_216 = tpu.memref_squeeze %dma_wait3A_215 : memref<1x!tpu.dma_semaphore, #tpu.memory_space<semaphore_mem>> -> memref<!tpu.dma_semaphore, #tpu.memory_space<semaphore_mem>>
      %dma_wait3A_217 = arith.constant 0 : i32
      %dma_wait3A_218 = arith.constant 0 : i32
      %dma_wait3A_219 = tpu.memref_slice %arg7[%arg1, %dma_wait3A_217, %dma_wait3A_218] : memref<16x128x128xf32, #tpu.memory_space<vmem_shared>> -> memref<1x128x128xf32, #tpu.memory_space<vmem_shared>>
      %dma_wait3A_220 = tpu.memref_squeeze %dma_wait3A_219 : memref<1x128x128xf32, #tpu.memory_space<vmem_shared>> -> memref<128x128xf32, #tpu.memory_space<vmem_shared>>
      %dma_wait3A_221 = arith.constant 0 : i32
      %dma_wait3A_222 = arith.constant 0 : i32
      %dma_wait3A_223 = tpu.memref_slice %arg6[%dma_wait3A_205, %dma_wait3A_221, %dma_wait3A_222] : memref<4x128x128xf32, #tpu.memory_space<vmem>> -> memref<1x128x128xf32, #tpu.memory_space<vmem>>
      %dma_wait3A_224 = tpu.memref_squeeze %dma_wait3A_223 : memref<1x128x128xf32, #tpu.memory_space<vmem>> -> memref<128x128xf32, #tpu.memory_space<vmem>>
      tpu.wait_dma2 semaphore(%dma_wait3A_216 : memref<!tpu.dma_semaphore, #tpu.memory_space<semaphore_mem>>) src(%dma_wait3A_224 : memref<128x128xf32, #tpu.memory_space<vmem>>) dst(%dma_wait3A_220 : memref<128x128xf32, #tpu.memory_space<vmem_shared>>)
      %semaphore_signal3A = arith.constant 1 : i32
      tpu.sem_signal %arg11, %semaphore_signal3A core_id %arg0 : memref<!tpu.semaphore, #tpu.memory_space<semaphore_mem, sc_scalar_subcore>>
      %lt3A = arith.constant 49 : i32
      %lt3A_225 = arith.cmpi slt, %scan3A_128, %lt3A : i32
      %convert_element_type3A_226 = arith.extui %lt3A_225 : i1 to i32
      %cond3A_227 = arith.constant 0 : i32
      %cond3A_228 = arith.cmpi ne, %convert_element_type3A_226, %cond3A_227 : i32
      scf.if %cond3A_228 {
        %add3A_306 = arith.constant 4 : i32
        %add3A_307 = arith.addi %mul3A_129, %add3A_306 : i32
        %dma_start3A_308 = arith.constant 0 : i32
        %dma_start3A_309 = arith.constant 0 : i32
        %dma_start3A_310 = arith.constant 0 : i32
        %dma_start3A_311 = arith.constant 0 : i32
        %dma_start3A_312 = tpu.memref_slice %arg6[%dma_start3A_308, %dma_start3A_310, %dma_start3A_311] : memref<4x128x128xf32, #tpu.memory_space<vmem>> -> memref<1x128x128xf32, #tpu.memory_space<vmem>>
        %dma_start3A_313 = tpu.memref_squeeze %dma_start3A_312 : memref<1x128x128xf32, #tpu.memory_space<vmem>> -> memref<128x128xf32, #tpu.memory_space<vmem>>
        %dma_start3A_314 = arith.constant 0 : i32
        %dma_start3A_315 = tpu.memref_slice %arg5[%add3A_307, %dma_start3A_314] : memref<200x128xi32, #tpu.memory_space<vmem>> -> memref<1x128xi32, #tpu.memory_space<vmem>>
        %dma_start3A_316 = tpu.memref_squeeze %dma_start3A_315 : memref<1x128xi32, #tpu.memory_space<vmem>> -> memref<128xi32, #tpu.memory_space<vmem>>
        %dma_start3A_317 = arith.constant 0 : i32
        %dma_start3A_318 = arith.constant 0 : i32
        %dma_start3A_319 = tpu.memref_slice %arg3[%dma_start3A_317, %dma_start3A_318] : memref<32128x128xf32, #tpu.memory_space<hbm>> -> memref<32128x128xf32, #tpu.memory_space<hbm>>
        %dma_start3A_320 = tpu.memref_slice %arg8[%dma_start3A_309] : memref<4x!tpu.dma_semaphore, #tpu.memory_space<semaphore_mem>> -> memref<1x!tpu.dma_semaphore, #tpu.memory_space<semaphore_mem>>
        %dma_start3A_321 = tpu.memref_squeeze %dma_start3A_320 : memref<1x!tpu.dma_semaphore, #tpu.memory_space<semaphore_mem>> -> memref<!tpu.dma_semaphore, #tpu.memory_space<semaphore_mem>>
        tpu.enqueue_indirect_dma source(%dma_start3A_319 : memref<32128x128xf32, #tpu.memory_space<hbm>>) target(%dma_start3A_313 : memref<128x128xf32, #tpu.memory_space<vmem>>) offsets(%dma_start3A_316 : memref<128xi32, #tpu.memory_space<vmem>>) semaphore(%dma_start3A_321 : memref<!tpu.dma_semaphore, #tpu.memory_space<semaphore_mem>>)
      } else {
      }
      %add3A_229 = arith.constant 2 : i32
      %add3A_230 = arith.addi %mul3A_129, %add3A_229 : i32
      %dma_wait3A_231 = arith.constant 2 : i32
      %dma_wait3A_232 = arith.constant 2 : i32
      %dma_wait3A_233 = arith.constant 0 : i32
      %dma_wait3A_234 = arith.constant 0 : i32
      %dma_wait3A_235 = tpu.memref_slice %arg6[%dma_wait3A_231, %dma_wait3A_233, %dma_wait3A_234] : memref<4x128x128xf32, #tpu.memory_space<vmem>> -> memref<1x128x128xf32, #tpu.memory_space<vmem>>
      %dma_wait3A_236 = tpu.memref_squeeze %dma_wait3A_235 : memref<1x128x128xf32, #tpu.memory_space<vmem>> -> memref<128x128xf32, #tpu.memory_space<vmem>>
      %dma_wait3A_237 = arith.constant 0 : i32
      %dma_wait3A_238 = tpu.memref_slice %arg5[%add3A_230, %dma_wait3A_237] : memref<200x128xi32, #tpu.memory_space<vmem>> -> memref<1x128xi32, #tpu.memory_space<vmem>>
      %dma_wait3A_239 = tpu.memref_squeeze %dma_wait3A_238 : memref<1x128xi32, #tpu.memory_space<vmem>> -> memref<128xi32, #tpu.memory_space<vmem>>
      %dma_wait3A_240 = arith.constant 0 : i32
      %dma_wait3A_241 = arith.constant 0 : i32
      %dma_wait3A_242 = tpu.memref_slice %arg3[%dma_wait3A_240, %dma_wait3A_241] : memref<32128x128xf32, #tpu.memory_space<hbm>> -> memref<32128x128xf32, #tpu.memory_space<hbm>>
      %dma_wait3A_243 = tpu.memref_slice %arg8[%dma_wait3A_232] : memref<4x!tpu.dma_semaphore, #tpu.memory_space<semaphore_mem>> -> memref<1x!tpu.dma_semaphore, #tpu.memory_space<semaphore_mem>>
      %dma_wait3A_244 = tpu.memref_squeeze %dma_wait3A_243 : memref<1x!tpu.dma_semaphore, #tpu.memory_space<semaphore_mem>> -> memref<!tpu.dma_semaphore, #tpu.memory_space<semaphore_mem>>
      tpu.wait_indirect_dma semaphore(%dma_wait3A_244 : memref<!tpu.dma_semaphore, #tpu.memory_space<semaphore_mem>>) src(%dma_wait3A_242 : memref<32128x128xf32, #tpu.memory_space<hbm>>) dst(%dma_wait3A_236 : memref<128x128xf32, #tpu.memory_space<vmem>>)
      %dma_start3A_245 = arith.constant 2 : i32
      %dma_start3A_246 = arith.constant 2 : i32
      %dma_start3A_247 = arith.constant 0 : i32
      %dma_start3A_248 = arith.constant 0 : i32
      %dma_start3A_249 = tpu.memref_slice %arg6[%dma_start3A_245, %dma_start3A_247, %dma_start3A_248] : memref<4x128x128xf32, #tpu.memory_space<vmem>> -> memref<1x128x128xf32, #tpu.memory_space<vmem>>
      %dma_start3A_250 = tpu.memref_squeeze %dma_start3A_249 : memref<1x128x128xf32, #tpu.memory_space<vmem>> -> memref<128x128xf32, #tpu.memory_space<vmem>>
      %dma_start3A_251 = arith.constant 0 : i32
      %dma_start3A_252 = arith.constant 0 : i32
      %dma_start3A_253 = tpu.memref_slice %arg4[%arg1, %arg0, %add3A_230, %dma_start3A_251, %dma_start3A_252] : memref<16x2x200x128x128xf32, #tpu.memory_space<hbm>> -> memref<1x1x1x128x128xf32, #tpu.memory_space<hbm>>
      %dma_start3A_254 = tpu.memref_squeeze %dma_start3A_253 : memref<1x1x1x128x128xf32, #tpu.memory_space<hbm>> -> memref<128x128xf32, #tpu.memory_space<hbm>>
      %dma_start3A_255 = tpu.memref_slice %arg9[%dma_start3A_246] : memref<4x!tpu.dma_semaphore, #tpu.memory_space<semaphore_mem>> -> memref<1x!tpu.dma_semaphore, #tpu.memory_space<semaphore_mem>>
      %dma_start3A_256 = tpu.memref_squeeze %dma_start3A_255 : memref<1x!tpu.dma_semaphore, #tpu.memory_space<semaphore_mem>> -> memref<!tpu.dma_semaphore, #tpu.memory_space<semaphore_mem>>
      %dma_start3A_257 = arith.constant 0 : i32
      %dma_start3A_258 = arith.constant 0 : i32
      %dma_start3A_259 = tpu.memref_slice %arg4[%arg1, %arg0, %add3A_230, %dma_start3A_257, %dma_start3A_258] : memref<16x2x200x128x128xf32, #tpu.memory_space<hbm>> -> memref<1x1x1x128x128xf32, #tpu.memory_space<hbm>>
      %dma_start3A_260 = tpu.memref_squeeze %dma_start3A_259 : memref<1x1x1x128x128xf32, #tpu.memory_space<hbm>> -> memref<128x128xf32, #tpu.memory_space<hbm>>
      %dma_start3A_261 = arith.constant 0 : i32
      %dma_start3A_262 = arith.constant 0 : i32
      %dma_start3A_263 = tpu.memref_slice %arg6[%dma_start3A_245, %dma_start3A_261, %dma_start3A_262] : memref<4x128x128xf32, #tpu.memory_space<vmem>> -> memref<1x128x128xf32, #tpu.memory_space<vmem>>
      %dma_start3A_264 = tpu.memref_squeeze %dma_start3A_263 : memref<1x128x128xf32, #tpu.memory_space<vmem>> -> memref<128x128xf32, #tpu.memory_space<vmem>>
      tpu.enqueue_dma source(%dma_start3A_264 : memref<128x128xf32, #tpu.memory_space<vmem>>) target(%dma_start3A_260 : memref<128x128xf32, #tpu.memory_space<hbm>>) target_semaphore(%dma_start3A_256 : memref<!tpu.dma_semaphore, #tpu.memory_space<semaphore_mem>>)
      %add3A_265 = arith.constant 3 : i32
      %add3A_266 = arith.addi %mul3A_129, %add3A_265 : i32
      %dma_wait3A_267 = arith.constant 3 : i32
      %dma_wait3A_268 = arith.constant 3 : i32
      %dma_wait3A_269 = arith.constant 0 : i32
      %dma_wait3A_270 = arith.constant 0 : i32
      %dma_wait3A_271 = tpu.memref_slice %arg6[%dma_wait3A_267, %dma_wait3A_269, %dma_wait3A_270] : memref<4x128x128xf32, #tpu.memory_space<vmem>> -> memref<1x128x128xf32, #tpu.memory_space<vmem>>
      %dma_wait3A_272 = tpu.memref_squeeze %dma_wait3A_271 : memref<1x128x128xf32, #tpu.memory_space<vmem>> -> memref<128x128xf32, #tpu.memory_space<vmem>>
      %dma_wait3A_273 = arith.constant 0 : i32
      %dma_wait3A_274 = tpu.memref_slice %arg5[%add3A_266, %dma_wait3A_273] : memref<200x128xi32, #tpu.memory_space<vmem>> -> memref<1x128xi32, #tpu.memory_space<vmem>>
      %dma_wait3A_275 = tpu.memref_squeeze %dma_wait3A_274 : memref<1x128xi32, #tpu.memory_space<vmem>> -> memref<128xi32, #tpu.memory_space<vmem>>
      %dma_wait3A_276 = arith.constant 0 : i32
      %dma_wait3A_277 = arith.constant 0 : i32
      %dma_wait3A_278 = tpu.memref_slice %arg3[%dma_wait3A_276, %dma_wait3A_277] : memref<32128x128xf32, #tpu.memory_space<hbm>> -> memref<32128x128xf32, #tpu.memory_space<hbm>>
      %dma_wait3A_279 = tpu.memref_slice %arg8[%dma_wait3A_268] : memref<4x!tpu.dma_semaphore, #tpu.memory_space<semaphore_mem>> -> memref<1x!tpu.dma_semaphore, #tpu.memory_space<semaphore_mem>>
      %dma_wait3A_280 = tpu.memref_squeeze %dma_wait3A_279 : memref<1x!tpu.dma_semaphore, #tpu.memory_space<semaphore_mem>> -> memref<!tpu.dma_semaphore, #tpu.memory_space<semaphore_mem>>
      tpu.wait_indirect_dma semaphore(%dma_wait3A_280 : memref<!tpu.dma_semaphore, #tpu.memory_space<semaphore_mem>>) src(%dma_wait3A_278 : memref<32128x128xf32, #tpu.memory_space<hbm>>) dst(%dma_wait3A_272 : memref<128x128xf32, #tpu.memory_space<vmem>>)
      %dma_start3A_281 = arith.constant 3 : i32
      %dma_start3A_282 = arith.constant 3 : i32
      %dma_start3A_283 = arith.constant 0 : i32
      %dma_start3A_284 = arith.constant 0 : i32
      %dma_start3A_285 = tpu.memref_slice %arg6[%dma_start3A_281, %dma_start3A_283, %dma_start3A_284] : memref<4x128x128xf32, #tpu.memory_space<vmem>> -> memref<1x128x128xf32, #tpu.memory_space<vmem>>
      %dma_start3A_286 = tpu.memref_squeeze %dma_start3A_285 : memref<1x128x128xf32, #tpu.memory_space<vmem>> -> memref<128x128xf32, #tpu.memory_space<vmem>>
      %dma_start3A_287 = arith.constant 0 : i32
      %dma_start3A_288 = arith.constant 0 : i32
      %dma_start3A_289 = tpu.memref_slice %arg4[%arg1, %arg0, %add3A_266, %dma_start3A_287, %dma_start3A_288] : memref<16x2x200x128x128xf32, #tpu.memory_space<hbm>> -> memref<1x1x1x128x128xf32, #tpu.memory_space<hbm>>
      %dma_start3A_290 = tpu.memref_squeeze %dma_start3A_289 : memref<1x1x1x128x128xf32, #tpu.memory_space<hbm>> -> memref<128x128xf32, #tpu.memory_space<hbm>>
      %dma_start3A_291 = tpu.memref_slice %arg9[%dma_start3A_282] : memref<4x!tpu.dma_semaphore, #tpu.memory_space<semaphore_mem>> -> memref<1x!tpu.dma_semaphore, #tpu.memory_space<semaphore_mem>>
      %dma_start3A_292 = tpu.memref_squeeze %dma_start3A_291 : memref<1x!tpu.dma_semaphore, #tpu.memory_space<semaphore_mem>> -> memref<!tpu.dma_semaphore, #tpu.memory_space<semaphore_mem>>
      %dma_start3A_293 = arith.constant 0 : i32
      %dma_start3A_294 = arith.constant 0 : i32
      %dma_start3A_295 = tpu.memref_slice %arg4[%arg1, %arg0, %add3A_266, %dma_start3A_293, %dma_start3A_294] : memref<16x2x200x128x128xf32, #tpu.memory_space<hbm>> -> memref<1x1x1x128x128xf32, #tpu.memory_space<hbm>>
      %dma_start3A_296 = tpu.memref_squeeze %dma_start3A_295 : memref<1x1x1x128x128xf32, #tpu.memory_space<hbm>> -> memref<128x128xf32, #tpu.memory_space<hbm>>
      %dma_start3A_297 = arith.constant 0 : i32
      %dma_start3A_298 = arith.constant 0 : i32
      %dma_start3A_299 = tpu.memref_slice %arg6[%dma_start3A_281, %dma_start3A_297, %dma_start3A_298] : memref<4x128x128xf32, #tpu.memory_space<vmem>> -> memref<1x128x128xf32, #tpu.memory_space<vmem>>
      %dma_start3A_300 = tpu.memref_squeeze %dma_start3A_299 : memref<1x128x128xf32, #tpu.memory_space<vmem>> -> memref<128x128xf32, #tpu.memory_space<vmem>>
      tpu.enqueue_dma source(%dma_start3A_300 : memref<128x128xf32, #tpu.memory_space<vmem>>) target(%dma_start3A_296 : memref<128x128xf32, #tpu.memory_space<hbm>>) target_semaphore(%dma_start3A_292 : memref<!tpu.dma_semaphore, #tpu.memory_space<semaphore_mem>>)
      %lt3A_301 = arith.constant 49 : i32
      %lt3A_302 = arith.cmpi slt, %scan3A_128, %lt3A_301 : i32
      %convert_element_type3A_303 = arith.extui %lt3A_302 : i1 to i32
      %cond3A_304 = arith.constant 0 : i32
      %cond3A_305 = arith.cmpi ne, %convert_element_type3A_303, %cond3A_304 : i32
      scf.if %cond3A_305 {
        %add3A_306 = arith.constant 1 : i32
        %add3A_307 = arith.addi %mul3A_129, %add3A_306 : i32
        %dma_wait3A_308 = arith.constant 1 : i32
        %dma_wait3A_309 = arith.constant 1 : i32
        %dma_wait3A_310 = arith.constant 0 : i32
        %dma_wait3A_311 = arith.constant 0 : i32
        %dma_wait3A_312 = tpu.memref_slice %arg6[%dma_wait3A_308, %dma_wait3A_310, %dma_wait3A_311] : memref<4x128x128xf32, #tpu.memory_space<vmem>> -> memref<1x128x128xf32, #tpu.memory_space<vmem>>
        %dma_wait3A_313 = tpu.memref_squeeze %dma_wait3A_312 : memref<1x128x128xf32, #tpu.memory_space<vmem>> -> memref<128x128xf32, #tpu.memory_space<vmem>>
        %dma_wait3A_314 = arith.constant 0 : i32
        %dma_wait3A_315 = arith.constant 0 : i32
        %dma_wait3A_316 = tpu.memref_slice %arg4[%arg1, %arg0, %add3A_307, %dma_wait3A_314, %dma_wait3A_315] : memref<16x2x200x128x128xf32, #tpu.memory_space<hbm>> -> memref<1x1x1x128x128xf32, #tpu.memory_space<hbm>>
        %dma_wait3A_317 = tpu.memref_squeeze %dma_wait3A_316 : memref<1x1x1x128x128xf32, #tpu.memory_space<hbm>> -> memref<128x128xf32, #tpu.memory_space<hbm>>
        %dma_wait3A_318 = tpu.memref_slice %arg9[%dma_wait3A_309] : memref<4x!tpu.dma_semaphore, #tpu.memory_space<semaphore_mem>> -> memref<1x!tpu.dma_semaphore, #tpu.memory_space<semaphore_mem>>
        %dma_wait3A_319 = tpu.memref_squeeze %dma_wait3A_318 : memref<1x!tpu.dma_semaphore, #tpu.memory_space<semaphore_mem>> -> memref<!tpu.dma_semaphore, #tpu.memory_space<semaphore_mem>>
        %dma_wait3A_320 = arith.constant 0 : i32
        %dma_wait3A_321 = arith.constant 0 : i32
        %dma_wait3A_322 = tpu.memref_slice %arg4[%arg1, %arg0, %add3A_307, %dma_wait3A_320, %dma_wait3A_321] : memref<16x2x200x128x128xf32, #tpu.memory_space<hbm>> -> memref<1x1x1x128x128xf32, #tpu.memory_space<hbm>>
        %dma_wait3A_323 = tpu.memref_squeeze %dma_wait3A_322 : memref<1x1x1x128x128xf32, #tpu.memory_space<hbm>> -> memref<128x128xf32, #tpu.memory_space<hbm>>
        %dma_wait3A_324 = arith.constant 0 : i32
        %dma_wait3A_325 = arith.constant 0 : i32
        %dma_wait3A_326 = tpu.memref_slice %arg6[%dma_wait3A_308, %dma_wait3A_324, %dma_wait3A_325] : memref<4x128x128xf32, #tpu.memory_space<vmem>> -> memref<1x128x128xf32, #tpu.memory_space<vmem>>
        %dma_wait3A_327 = tpu.memref_squeeze %dma_wait3A_326 : memref<1x128x128xf32, #tpu.memory_space<vmem>> -> memref<128x128xf32, #tpu.memory_space<vmem>>
        tpu.wait_dma2 semaphore(%dma_wait3A_319 : memref<!tpu.dma_semaphore, #tpu.memory_space<semaphore_mem>>) src(%dma_wait3A_327 : memref<128x128xf32, #tpu.memory_space<vmem>>) dst(%dma_wait3A_323 : memref<128x128xf32, #tpu.memory_space<hbm>>)
        %add3A_328 = arith.constant 4 : i32
        %add3A_329 = arith.addi %mul3A_129, %add3A_328 : i32
        %add3A_330 = arith.constant 1 : i32
        %add3A_331 = arith.addi %add3A_329, %add3A_330 : i32
        %dma_start3A_332 = arith.constant 1 : i32
        %dma_start3A_333 = arith.constant 1 : i32
        %dma_start3A_334 = arith.constant 0 : i32
        %dma_start3A_335 = arith.constant 0 : i32
        %dma_start3A_336 = tpu.memref_slice %arg6[%dma_start3A_332, %dma_start3A_334, %dma_start3A_335] : memref<4x128x128xf32, #tpu.memory_space<vmem>> -> memref<1x128x128xf32, #tpu.memory_space<vmem>>
        %dma_start3A_337 = tpu.memref_squeeze %dma_start3A_336 : memref<1x128x128xf32, #tpu.memory_space<vmem>> -> memref<128x128xf32, #tpu.memory_space<vmem>>
        %dma_start3A_338 = arith.constant 0 : i32
        %dma_start3A_339 = tpu.memref_slice %arg5[%add3A_331, %dma_start3A_338] : memref<200x128xi32, #tpu.memory_space<vmem>> -> memref<1x128xi32, #tpu.memory_space<vmem>>
        %dma_start3A_340 = tpu.memref_squeeze %dma_start3A_339 : memref<1x128xi32, #tpu.memory_space<vmem>> -> memref<128xi32, #tpu.memory_space<vmem>>
        %dma_start3A_341 = arith.constant 0 : i32
        %dma_start3A_342 = arith.constant 0 : i32
        %dma_start3A_343 = tpu.memref_slice %arg3[%dma_start3A_341, %dma_start3A_342] : memref<32128x128xf32, #tpu.memory_space<hbm>> -> memref<32128x128xf32, #tpu.memory_space<hbm>>
        %dma_start3A_344 = tpu.memref_slice %arg8[%dma_start3A_333] : memref<4x!tpu.dma_semaphore, #tpu.memory_space<semaphore_mem>> -> memref<1x!tpu.dma_semaphore, #tpu.memory_space<semaphore_mem>>
        %dma_start3A_345 = tpu.memref_squeeze %dma_start3A_344 : memref<1x!tpu.dma_semaphore, #tpu.memory_space<semaphore_mem>> -> memref<!tpu.dma_semaphore, #tpu.memory_space<semaphore_mem>>
        tpu.enqueue_indirect_dma source(%dma_start3A_343 : memref<32128x128xf32, #tpu.memory_space<hbm>>) target(%dma_start3A_337 : memref<128x128xf32, #tpu.memory_space<vmem>>) offsets(%dma_start3A_340 : memref<128xi32, #tpu.memory_space<vmem>>) semaphore(%dma_start3A_345 : memref<!tpu.dma_semaphore, #tpu.memory_space<semaphore_mem>>)
        %add3A_346 = arith.constant 2 : i32
        %add3A_347 = arith.addi %mul3A_129, %add3A_346 : i32
        %dma_wait3A_348 = arith.constant 2 : i32
        %dma_wait3A_349 = arith.constant 2 : i32
        %dma_wait3A_350 = arith.constant 0 : i32
        %dma_wait3A_351 = arith.constant 0 : i32
        %dma_wait3A_352 = tpu.memref_slice %arg6[%dma_wait3A_348, %dma_wait3A_350, %dma_wait3A_351] : memref<4x128x128xf32, #tpu.memory_space<vmem>> -> memref<1x128x128xf32, #tpu.memory_space<vmem>>
        %dma_wait3A_353 = tpu.memref_squeeze %dma_wait3A_352 : memref<1x128x128xf32, #tpu.memory_space<vmem>> -> memref<128x128xf32, #tpu.memory_space<vmem>>
        %dma_wait3A_354 = arith.constant 0 : i32
        %dma_wait3A_355 = arith.constant 0 : i32
        %dma_wait3A_356 = tpu.memref_slice %arg4[%arg1, %arg0, %add3A_347, %dma_wait3A_354, %dma_wait3A_355] : memref<16x2x200x128x128xf32, #tpu.memory_space<hbm>> -> memref<1x1x1x128x128xf32, #tpu.memory_space<hbm>>
        %dma_wait3A_357 = tpu.memref_squeeze %dma_wait3A_356 : memref<1x1x1x128x128xf32, #tpu.memory_space<hbm>> -> memref<128x128xf32, #tpu.memory_space<hbm>>
        %dma_wait3A_358 = tpu.memref_slice %arg9[%dma_wait3A_349] : memref<4x!tpu.dma_semaphore, #tpu.memory_space<semaphore_mem>> -> memref<1x!tpu.dma_semaphore, #tpu.memory_space<semaphore_mem>>
        %dma_wait3A_359 = tpu.memref_squeeze %dma_wait3A_358 : memref<1x!tpu.dma_semaphore, #tpu.memory_space<semaphore_mem>> -> memref<!tpu.dma_semaphore, #tpu.memory_space<semaphore_mem>>
        %dma_wait3A_360 = arith.constant 0 : i32
        %dma_wait3A_361 = arith.constant 0 : i32
        %dma_wait3A_362 = tpu.memref_slice %arg4[%arg1, %arg0, %add3A_347, %dma_wait3A_360, %dma_wait3A_361] : memref<16x2x200x128x128xf32, #tpu.memory_space<hbm>> -> memref<1x1x1x128x128xf32, #tpu.memory_space<hbm>>
        %dma_wait3A_363 = tpu.memref_squeeze %dma_wait3A_362 : memref<1x1x1x128x128xf32, #tpu.memory_space<hbm>> -> memref<128x128xf32, #tpu.memory_space<hbm>>
        %dma_wait3A_364 = arith.constant 0 : i32
        %dma_wait3A_365 = arith.constant 0 : i32
        %dma_wait3A_366 = tpu.memref_slice %arg6[%dma_wait3A_348, %dma_wait3A_364, %dma_wait3A_365] : memref<4x128x128xf32, #tpu.memory_space<vmem>> -> memref<1x128x128xf32, #tpu.memory_space<vmem>>
        %dma_wait3A_367 = tpu.memref_squeeze %dma_wait3A_366 : memref<1x128x128xf32, #tpu.memory_space<vmem>> -> memref<128x128xf32, #tpu.memory_space<vmem>>
        tpu.wait_dma2 semaphore(%dma_wait3A_359 : memref<!tpu.dma_semaphore, #tpu.memory_space<semaphore_mem>>) src(%dma_wait3A_367 : memref<128x128xf32, #tpu.memory_space<vmem>>) dst(%dma_wait3A_363 : memref<128x128xf32, #tpu.memory_space<hbm>>)
        %add3A_368 = arith.constant 4 : i32
        %add3A_369 = arith.addi %mul3A_129, %add3A_368 : i32
        %add3A_370 = arith.constant 2 : i32
        %add3A_371 = arith.addi %add3A_369, %add3A_370 : i32
        %dma_start3A_372 = arith.constant 2 : i32
        %dma_start3A_373 = arith.constant 2 : i32
        %dma_start3A_374 = arith.constant 0 : i32
        %dma_start3A_375 = arith.constant 0 : i32
        %dma_start3A_376 = tpu.memref_slice %arg6[%dma_start3A_372, %dma_start3A_374, %dma_start3A_375] : memref<4x128x128xf32, #tpu.memory_space<vmem>> -> memref<1x128x128xf32, #tpu.memory_space<vmem>>
        %dma_start3A_377 = tpu.memref_squeeze %dma_start3A_376 : memref<1x128x128xf32, #tpu.memory_space<vmem>> -> memref<128x128xf32, #tpu.memory_space<vmem>>
        %dma_start3A_378 = arith.constant 0 : i32
        %dma_start3A_379 = tpu.memref_slice %arg5[%add3A_371, %dma_start3A_378] : memref<200x128xi32, #tpu.memory_space<vmem>> -> memref<1x128xi32, #tpu.memory_space<vmem>>
        %dma_start3A_380 = tpu.memref_squeeze %dma_start3A_379 : memref<1x128xi32, #tpu.memory_space<vmem>> -> memref<128xi32, #tpu.memory_space<vmem>>
        %dma_start3A_381 = arith.constant 0 : i32
        %dma_start3A_382 = arith.constant 0 : i32
        %dma_start3A_383 = tpu.memref_slice %arg3[%dma_start3A_381, %dma_start3A_382] : memref<32128x128xf32, #tpu.memory_space<hbm>> -> memref<32128x128xf32, #tpu.memory_space<hbm>>
        %dma_start3A_384 = tpu.memref_slice %arg8[%dma_start3A_373] : memref<4x!tpu.dma_semaphore, #tpu.memory_space<semaphore_mem>> -> memref<1x!tpu.dma_semaphore, #tpu.memory_space<semaphore_mem>>
        %dma_start3A_385 = tpu.memref_squeeze %dma_start3A_384 : memref<1x!tpu.dma_semaphore, #tpu.memory_space<semaphore_mem>> -> memref<!tpu.dma_semaphore, #tpu.memory_space<semaphore_mem>>
        tpu.enqueue_indirect_dma source(%dma_start3A_383 : memref<32128x128xf32, #tpu.memory_space<hbm>>) target(%dma_start3A_377 : memref<128x128xf32, #tpu.memory_space<vmem>>) offsets(%dma_start3A_380 : memref<128xi32, #tpu.memory_space<vmem>>) semaphore(%dma_start3A_385 : memref<!tpu.dma_semaphore, #tpu.memory_space<semaphore_mem>>)
        %add3A_386 = arith.constant 3 : i32
        %add3A_387 = arith.addi %mul3A_129, %add3A_386 : i32
        %dma_wait3A_388 = arith.constant 3 : i32
        %dma_wait3A_389 = arith.constant 3 : i32
        %dma_wait3A_390 = arith.constant 0 : i32
        %dma_wait3A_391 = arith.constant 0 : i32
        %dma_wait3A_392 = tpu.memref_slice %arg6[%dma_wait3A_388, %dma_wait3A_390, %dma_wait3A_391] : memref<4x128x128xf32, #tpu.memory_space<vmem>> -> memref<1x128x128xf32, #tpu.memory_space<vmem>>
        %dma_wait3A_393 = tpu.memref_squeeze %dma_wait3A_392 : memref<1x128x128xf32, #tpu.memory_space<vmem>> -> memref<128x128xf32, #tpu.memory_space<vmem>>
        %dma_wait3A_394 = arith.constant 0 : i32
        %dma_wait3A_395 = arith.constant 0 : i32
        %dma_wait3A_396 = tpu.memref_slice %arg4[%arg1, %arg0, %add3A_387, %dma_wait3A_394, %dma_wait3A_395] : memref<16x2x200x128x128xf32, #tpu.memory_space<hbm>> -> memref<1x1x1x128x128xf32, #tpu.memory_space<hbm>>
        %dma_wait3A_397 = tpu.memref_squeeze %dma_wait3A_396 : memref<1x1x1x128x128xf32, #tpu.memory_space<hbm>> -> memref<128x128xf32, #tpu.memory_space<hbm>>
        %dma_wait3A_398 = tpu.memref_slice %arg9[%dma_wait3A_389] : memref<4x!tpu.dma_semaphore, #tpu.memory_space<semaphore_mem>> -> memref<1x!tpu.dma_semaphore, #tpu.memory_space<semaphore_mem>>
        %dma_wait3A_399 = tpu.memref_squeeze %dma_wait3A_398 : memref<1x!tpu.dma_semaphore, #tpu.memory_space<semaphore_mem>> -> memref<!tpu.dma_semaphore, #tpu.memory_space<semaphore_mem>>
        %dma_wait3A_400 = arith.constant 0 : i32
        %dma_wait3A_401 = arith.constant 0 : i32
        %dma_wait3A_402 = tpu.memref_slice %arg4[%arg1, %arg0, %add3A_387, %dma_wait3A_400, %dma_wait3A_401] : memref<16x2x200x128x128xf32, #tpu.memory_space<hbm>> -> memref<1x1x1x128x128xf32, #tpu.memory_space<hbm>>
        %dma_wait3A_403 = tpu.memref_squeeze %dma_wait3A_402 : memref<1x1x1x128x128xf32, #tpu.memory_space<hbm>> -> memref<128x128xf32, #tpu.memory_space<hbm>>
        %dma_wait3A_404 = arith.constant 0 : i32
        %dma_wait3A_405 = arith.constant 0 : i32
        %dma_wait3A_406 = tpu.memref_slice %arg6[%dma_wait3A_388, %dma_wait3A_404, %dma_wait3A_405] : memref<4x128x128xf32, #tpu.memory_space<vmem>> -> memref<1x128x128xf32, #tpu.memory_space<vmem>>
        %dma_wait3A_407 = tpu.memref_squeeze %dma_wait3A_406 : memref<1x128x128xf32, #tpu.memory_space<vmem>> -> memref<128x128xf32, #tpu.memory_space<vmem>>
        tpu.wait_dma2 semaphore(%dma_wait3A_399 : memref<!tpu.dma_semaphore, #tpu.memory_space<semaphore_mem>>) src(%dma_wait3A_407 : memref<128x128xf32, #tpu.memory_space<vmem>>) dst(%dma_wait3A_403 : memref<128x128xf32, #tpu.memory_space<hbm>>)
        %add3A_408 = arith.constant 4 : i32
        %add3A_409 = arith.addi %mul3A_129, %add3A_408 : i32
        %add3A_410 = arith.constant 3 : i32
        %add3A_411 = arith.addi %add3A_409, %add3A_410 : i32
        %dma_start3A_412 = arith.constant 3 : i32
        %dma_start3A_413 = arith.constant 3 : i32
        %dma_start3A_414 = arith.constant 0 : i32
        %dma_start3A_415 = arith.constant 0 : i32
        %dma_start3A_416 = tpu.memref_slice %arg6[%dma_start3A_412, %dma_start3A_414, %dma_start3A_415] : memref<4x128x128xf32, #tpu.memory_space<vmem>> -> memref<1x128x128xf32, #tpu.memory_space<vmem>>
        %dma_start3A_417 = tpu.memref_squeeze %dma_start3A_416 : memref<1x128x128xf32, #tpu.memory_space<vmem>> -> memref<128x128xf32, #tpu.memory_space<vmem>>
        %dma_start3A_418 = arith.constant 0 : i32
        %dma_start3A_419 = tpu.memref_slice %arg5[%add3A_411, %dma_start3A_418] : memref<200x128xi32, #tpu.memory_space<vmem>> -> memref<1x128xi32, #tpu.memory_space<vmem>>
        %dma_start3A_420 = tpu.memref_squeeze %dma_start3A_419 : memref<1x128xi32, #tpu.memory_space<vmem>> -> memref<128xi32, #tpu.memory_space<vmem>>
        %dma_start3A_421 = arith.constant 0 : i32
        %dma_start3A_422 = arith.constant 0 : i32
        %dma_start3A_423 = tpu.memref_slice %arg3[%dma_start3A_421, %dma_start3A_422] : memref<32128x128xf32, #tpu.memory_space<hbm>> -> memref<32128x128xf32, #tpu.memory_space<hbm>>
        %dma_start3A_424 = tpu.memref_slice %arg8[%dma_start3A_413] : memref<4x!tpu.dma_semaphore, #tpu.memory_space<semaphore_mem>> -> memref<1x!tpu.dma_semaphore, #tpu.memory_space<semaphore_mem>>
        %dma_start3A_425 = tpu.memref_squeeze %dma_start3A_424 : memref<1x!tpu.dma_semaphore, #tpu.memory_space<semaphore_mem>> -> memref<!tpu.dma_semaphore, #tpu.memory_space<semaphore_mem>>
        tpu.enqueue_indirect_dma source(%dma_start3A_423 : memref<32128x128xf32, #tpu.memory_space<hbm>>) target(%dma_start3A_417 : memref<128x128xf32, #tpu.memory_space<vmem>>) offsets(%dma_start3A_420 : memref<128xi32, #tpu.memory_space<vmem>>) semaphore(%dma_start3A_425 : memref<!tpu.dma_semaphore, #tpu.memory_space<semaphore_mem>>)
      } else {
      }
    }
    %scan3A_63 = arith.constant 50 : i32
    %dma_wait3A = arith.constant 1 : i32
    %dma_wait3A_64 = arith.constant 197 : i32
    %dma_wait3A_65 = arith.constant 1 : i32
    %dma_wait3A_66 = arith.constant 0 : i32
    %dma_wait3A_67 = arith.constant 0 : i32
    %dma_wait3A_68 = tpu.memref_slice %arg6[%dma_wait3A, %dma_wait3A_66, %dma_wait3A_67] : memref<4x128x128xf32, #tpu.memory_space<vmem>> -> memref<1x128x128xf32, #tpu.memory_space<vmem>>
    %dma_wait3A_69 = tpu.memref_squeeze %dma_wait3A_68 : memref<1x128x128xf32, #tpu.memory_space<vmem>> -> memref<128x128xf32, #tpu.memory_space<vmem>>
    %dma_wait3A_70 = arith.constant 0 : i32
    %dma_wait3A_71 = arith.constant 0 : i32
    %dma_wait3A_72 = tpu.memref_slice %arg4[%arg1, %arg0, %dma_wait3A_64, %dma_wait3A_70, %dma_wait3A_71] : memref<16x2x200x128x128xf32, #tpu.memory_space<hbm>> -> memref<1x1x1x128x128xf32, #tpu.memory_space<hbm>>
    %dma_wait3A_73 = tpu.memref_squeeze %dma_wait3A_72 : memref<1x1x1x128x128xf32, #tpu.memory_space<hbm>> -> memref<128x128xf32, #tpu.memory_space<hbm>>
    %dma_wait3A_74 = tpu.memref_slice %arg9[%dma_wait3A_65] : memref<4x!tpu.dma_semaphore, #tpu.memory_space<semaphore_mem>> -> memref<1x!tpu.dma_semaphore, #tpu.memory_space<semaphore_mem>>
    %dma_wait3A_75 = tpu.memref_squeeze %dma_wait3A_74 : memref<1x!tpu.dma_semaphore, #tpu.memory_space<semaphore_mem>> -> memref<!tpu.dma_semaphore, #tpu.memory_space<semaphore_mem>>
    %dma_wait3A_76 = arith.constant 0 : i32
    %dma_wait3A_77 = arith.constant 0 : i32
    %dma_wait3A_78 = tpu.memref_slice %arg4[%arg1, %arg0, %dma_wait3A_64, %dma_wait3A_76, %dma_wait3A_77] : memref<16x2x200x128x128xf32, #tpu.memory_space<hbm>> -> memref<1x1x1x128x128xf32, #tpu.memory_space<hbm>>
    %dma_wait3A_79 = tpu.memref_squeeze %dma_wait3A_78 : memref<1x1x1x128x128xf32, #tpu.memory_space<hbm>> -> memref<128x128xf32, #tpu.memory_space<hbm>>
    %dma_wait3A_80 = arith.constant 0 : i32
    %dma_wait3A_81 = arith.constant 0 : i32
    %dma_wait3A_82 = tpu.memref_slice %arg6[%dma_wait3A, %dma_wait3A_80, %dma_wait3A_81] : memref<4x128x128xf32, #tpu.memory_space<vmem>> -> memref<1x128x128xf32, #tpu.memory_space<vmem>>
    %dma_wait3A_83 = tpu.memref_squeeze %dma_wait3A_82 : memref<1x128x128xf32, #tpu.memory_space<vmem>> -> memref<128x128xf32, #tpu.memory_space<vmem>>
    tpu.wait_dma2 semaphore(%dma_wait3A_75 : memref<!tpu.dma_semaphore, #tpu.memory_space<semaphore_mem>>) src(%dma_wait3A_83 : memref<128x128xf32, #tpu.memory_space<vmem>>) dst(%dma_wait3A_79 : memref<128x128xf32, #tpu.memory_space<hbm>>)
    %dma_wait3A_84 = arith.constant 2 : i32
    %dma_wait3A_85 = arith.constant 198 : i32
    %dma_wait3A_86 = arith.constant 2 : i32
    %dma_wait3A_87 = arith.constant 0 : i32
    %dma_wait3A_88 = arith.constant 0 : i32
    %dma_wait3A_89 = tpu.memref_slice %arg6[%dma_wait3A_84, %dma_wait3A_87, %dma_wait3A_88] : memref<4x128x128xf32, #tpu.memory_space<vmem>> -> memref<1x128x128xf32, #tpu.memory_space<vmem>>
    %dma_wait3A_90 = tpu.memref_squeeze %dma_wait3A_89 : memref<1x128x128xf32, #tpu.memory_space<vmem>> -> memref<128x128xf32, #tpu.memory_space<vmem>>
    %dma_wait3A_91 = arith.constant 0 : i32
    %dma_wait3A_92 = arith.constant 0 : i32
    %dma_wait3A_93 = tpu.memref_slice %arg4[%arg1, %arg0, %dma_wait3A_85, %dma_wait3A_91, %dma_wait3A_92] : memref<16x2x200x128x128xf32, #tpu.memory_space<hbm>> -> memref<1x1x1x128x128xf32, #tpu.memory_space<hbm>>
    %dma_wait3A_94 = tpu.memref_squeeze %dma_wait3A_93 : memref<1x1x1x128x128xf32, #tpu.memory_space<hbm>> -> memref<128x128xf32, #tpu.memory_space<hbm>>
    %dma_wait3A_95 = tpu.memref_slice %arg9[%dma_wait3A_86] : memref<4x!tpu.dma_semaphore, #tpu.memory_space<semaphore_mem>> -> memref<1x!tpu.dma_semaphore, #tpu.memory_space<semaphore_mem>>
    %dma_wait3A_96 = tpu.memref_squeeze %dma_wait3A_95 : memref<1x!tpu.dma_semaphore, #tpu.memory_space<semaphore_mem>> -> memref<!tpu.dma_semaphore, #tpu.memory_space<semaphore_mem>>
    %dma_wait3A_97 = arith.constant 0 : i32
    %dma_wait3A_98 = arith.constant 0 : i32
    %dma_wait3A_99 = tpu.memref_slice %arg4[%arg1, %arg0, %dma_wait3A_85, %dma_wait3A_97, %dma_wait3A_98] : memref<16x2x200x128x128xf32, #tpu.memory_space<hbm>> -> memref<1x1x1x128x128xf32, #tpu.memory_space<hbm>>
    %dma_wait3A_100 = tpu.memref_squeeze %dma_wait3A_99 : memref<1x1x1x128x128xf32, #tpu.memory_space<hbm>> -> memref<128x128xf32, #tpu.memory_space<hbm>>
    %dma_wait3A_101 = arith.constant 0 : i32
    %dma_wait3A_102 = arith.constant 0 : i32
    %dma_wait3A_103 = tpu.memref_slice %arg6[%dma_wait3A_84, %dma_wait3A_101, %dma_wait3A_102] : memref<4x128x128xf32, #tpu.memory_space<vmem>> -> memref<1x128x128xf32, #tpu.memory_space<vmem>>
    %dma_wait3A_104 = tpu.memref_squeeze %dma_wait3A_103 : memref<1x128x128xf32, #tpu.memory_space<vmem>> -> memref<128x128xf32, #tpu.memory_space<vmem>>
    tpu.wait_dma2 semaphore(%dma_wait3A_96 : memref<!tpu.dma_semaphore, #tpu.memory_space<semaphore_mem>>) src(%dma_wait3A_104 : memref<128x128xf32, #tpu.memory_space<vmem>>) dst(%dma_wait3A_100 : memref<128x128xf32, #tpu.memory_space<hbm>>)
    %dma_wait3A_105 = arith.constant 3 : i32
    %dma_wait3A_106 = arith.constant 199 : i32
    %dma_wait3A_107 = arith.constant 3 : i32
    %dma_wait3A_108 = arith.constant 0 : i32
    %dma_wait3A_109 = arith.constant 0 : i32
    %dma_wait3A_110 = tpu.memref_slice %arg6[%dma_wait3A_105, %dma_wait3A_108, %dma_wait3A_109] : memref<4x128x128xf32, #tpu.memory_space<vmem>> -> memref<1x128x128xf32, #tpu.memory_space<vmem>>
    %dma_wait3A_111 = tpu.memref_squeeze %dma_wait3A_110 : memref<1x128x128xf32, #tpu.memory_space<vmem>> -> memref<128x128xf32, #tpu.memory_space<vmem>>
    %dma_wait3A_112 = arith.constant 0 : i32
    %dma_wait3A_113 = arith.constant 0 : i32
    %dma_wait3A_114 = tpu.memref_slice %arg4[%arg1, %arg0, %dma_wait3A_106, %dma_wait3A_112, %dma_wait3A_113] : memref<16x2x200x128x128xf32, #tpu.memory_space<hbm>> -> memref<1x1x1x128x128xf32, #tpu.memory_space<hbm>>
    %dma_wait3A_115 = tpu.memref_squeeze %dma_wait3A_114 : memref<1x1x1x128x128xf32, #tpu.memory_space<hbm>> -> memref<128x128xf32, #tpu.memory_space<hbm>>
    %dma_wait3A_116 = tpu.memref_slice %arg9[%dma_wait3A_107] : memref<4x!tpu.dma_semaphore, #tpu.memory_space<semaphore_mem>> -> memref<1x!tpu.dma_semaphore, #tpu.memory_space<semaphore_mem>>
    %dma_wait3A_117 = tpu.memref_squeeze %dma_wait3A_116 : memref<1x!tpu.dma_semaphore, #tpu.memory_space<semaphore_mem>> -> memref<!tpu.dma_semaphore, #tpu.memory_space<semaphore_mem>>
    %dma_wait3A_118 = arith.constant 0 : i32
    %dma_wait3A_119 = arith.constant 0 : i32
    %dma_wait3A_120 = tpu.memref_slice %arg4[%arg1, %arg0, %dma_wait3A_106, %dma_wait3A_118, %dma_wait3A_119] : memref<16x2x200x128x128xf32, #tpu.memory_space<hbm>> -> memref<1x1x1x128x128xf32, #tpu.memory_space<hbm>>
    %dma_wait3A_121 = tpu.memref_squeeze %dma_wait3A_120 : memref<1x1x1x128x128xf32, #tpu.memory_space<hbm>> -> memref<128x128xf32, #tpu.memory_space<hbm>>
    %dma_wait3A_122 = arith.constant 0 : i32
    %dma_wait3A_123 = arith.constant 0 : i32
    %dma_wait3A_124 = tpu.memref_slice %arg6[%dma_wait3A_105, %dma_wait3A_122, %dma_wait3A_123] : memref<4x128x128xf32, #tpu.memory_space<vmem>> -> memref<1x128x128xf32, #tpu.memory_space<vmem>>
    %dma_wait3A_125 = tpu.memref_squeeze %dma_wait3A_124 : memref<1x128x128xf32, #tpu.memory_space<vmem>> -> memref<128x128xf32, #tpu.memory_space<vmem>>
    tpu.wait_dma2 semaphore(%dma_wait3A_117 : memref<!tpu.dma_semaphore, #tpu.memory_space<semaphore_mem>>) src(%dma_wait3A_125 : memref<128x128xf32, #tpu.memory_space<vmem>>) dst(%dma_wait3A_121 : memref<128x128xf32, #tpu.memory_space<hbm>>)
    %eq3A = arith.constant 0 : i32
    %eq3A_126 = arith.cmpi eq, %arg1, %eq3A : i32
    %convert_element_type3A = arith.extui %eq3A_126 : i1 to i32
    %cond3A = arith.constant 0 : i32
    %cond3A_127 = arith.cmpi ne, %convert_element_type3A, %cond3A : i32
    scf.if %cond3A_127 {
      %semaphore_wait3A = arith.constant 1 : i32
      %semaphore_wait3A_128 = arith.constant true
      tpu.sem_wait %arg10, %semaphore_wait3A : memref<!tpu.semaphore, #tpu.memory_space<semaphore_mem>>
    } else {
    }
    return
  }
  func.func @scs(%arg0: i32, %arg1: memref<16x2x200x128xi32, #tpu.memory_space<hbm>>, %arg2: memref<32128x128xf32, #tpu.memory_space<hbm>>, %arg3: memref<16x2x200x128x128xf32, #tpu.memory_space<hbm>>, %arg4: memref<200x128xi32, #tpu.memory_space<vmem, sc_vector_subcore>>, %arg5: memref<4x128x128xf32, #tpu.memory_space<vmem, sc_vector_subcore>>, %arg6: memref<16x128x128xf32, #tpu.memory_space<vmem_shared>>, %arg7: memref<4x!tpu.dma_semaphore, #tpu.memory_space<semaphore_mem, sc_vector_subcore>>, %arg8: memref<4x!tpu.dma_semaphore, #tpu.memory_space<semaphore_mem, sc_vector_subcore>>, %arg9: memref<!tpu.semaphore, #tpu.memory_space<semaphore_mem, sc_vector_subcore>>, %arg10: memref<!tpu.semaphore, #tpu.memory_space<semaphore_mem>>, %arg11: memref<!tpu.dma_semaphore, #tpu.memory_space<semaphore_mem>>) attributes {dimension_semantics = [#tpu.dimension_semantics<core_parallel>], iteration_bounds = array<i64: 2>, scalar_prefetch = 0 : i64, scratch_operands = 8 : i64, tpu.core_type = #tpu.core_type<sc_scalar_subcore>, window_params = [{transform_indices = #map3}, {transform_indices = #map4}, {transform_indices = #map5}]} {
    %scan3A = arith.constant 0 : i32
    %scan3A_0 = arith.constant 0 : i32
    %scan3A_1 = arith.constant 50 : i32
    %scan3A_2 = arith.addi %scan3A_0, %scan3A_1 : i32
    %scan3A_3 = arith.constant 1 : i32
    scf.for %scan3A_5 = %scan3A_0 to %scan3A_2 step %scan3A_3  : i32 {
      %jit3A = arith.constant 1 : i32
      %div3A = arith.divsi %scan3A_5, %jit3A : i32
      %sign3A = arith.constant 0 : i32
      %sign3A_6 = arith.cmpi sgt, %scan3A_5, %sign3A : i32
      %sign3A_7 = arith.extui %sign3A_6 : i1 to i32
      %sign3A_8 = arith.constant 0 : i32
      %sign3A_9 = arith.cmpi slt, %scan3A_5, %sign3A_8 : i32
      %sign3A_10 = arith.extui %sign3A_9 : i1 to i32
      %sign3A_11 = arith.subi %sign3A_7, %sign3A_10 : i32
      %sign3A_12 = arith.constant 0 : i32
      %sign3A_13 = arith.cmpi sgt, %jit3A, %sign3A_12 : i32
      %sign3A_14 = arith.extui %sign3A_13 : i1 to i32
      %sign3A_15 = arith.constant 0 : i32
      %sign3A_16 = arith.cmpi slt, %jit3A, %sign3A_15 : i32
      %sign3A_17 = arith.extui %sign3A_16 : i1 to i32
      %sign3A_18 = arith.subi %sign3A_14, %sign3A_17 : i32
      %ne3A = arith.cmpi ne, %sign3A_11, %sign3A_18 : i32
      %rem3A = arith.remsi %scan3A_5, %jit3A : i32
      %ne3A_19 = arith.constant 0 : i32
      %ne3A_20 = arith.cmpi ne, %rem3A, %ne3A_19 : i32
      %and3A = arith.andi %ne3A, %ne3A_20 : i1
      %sub3A = arith.constant 1 : i32
      %sub3A_21 = arith.subi %div3A, %sub3A : i32
      %select_n3A = arith.select %and3A, %sub3A_21, %div3A : i32
      %mul3A = arith.constant 4 : i32
      %mul3A_22 = arith.muli %select_n3A, %mul3A : i32
      %semaphore_wait3A = arith.constant 16 : i32
      %semaphore_wait3A_23 = arith.constant true
      tpu.sem_wait %arg10, %semaphore_wait3A : memref<!tpu.semaphore, #tpu.memory_space<semaphore_mem>>
      %dma_start3A = arith.constant 0 : i32
      %dma_start3A_24 = arith.constant 0 : i32
      %dma_start3A_25 = arith.constant 0 : i32
      %dma_start3A_26 = tpu.memref_slice %arg3[%dma_start3A, %arg0, %mul3A_22, %dma_start3A_24, %dma_start3A_25] : memref<16x2x200x128x128xf32, #tpu.memory_space<hbm>> -> memref<16x1x1x128x128xf32, #tpu.memory_space<hbm>>
      %dma_start3A_27 = tpu.memref_squeeze %dma_start3A_26 : memref<16x1x1x128x128xf32, #tpu.memory_space<hbm>> -> memref<16x128x128xf32, #tpu.memory_space<hbm>>
      tpu.enqueue_dma source(%arg6 : memref<16x128x128xf32, #tpu.memory_space<vmem_shared>>) target(%dma_start3A_27 : memref<16x128x128xf32, #tpu.memory_space<hbm>>) target_semaphore(%arg11 : memref<!tpu.dma_semaphore, #tpu.memory_space<semaphore_mem>>)
      %dma_wait3A = arith.constant 0 : i32
      %dma_wait3A_28 = arith.constant 0 : i32
      %dma_wait3A_29 = arith.constant 0 : i32
      %dma_wait3A_30 = tpu.memref_slice %arg3[%dma_wait3A, %arg0, %mul3A_22, %dma_wait3A_28, %dma_wait3A_29] : memref<16x2x200x128x128xf32, #tpu.memory_space<hbm>> -> memref<16x1x1x128x128xf32, #tpu.memory_space<hbm>>
      %dma_wait3A_31 = tpu.memref_squeeze %dma_wait3A_30 : memref<16x1x1x128x128xf32, #tpu.memory_space<hbm>> -> memref<16x128x128xf32, #tpu.memory_space<hbm>>
      tpu.wait_dma2 semaphore(%arg11 : memref<!tpu.dma_semaphore, #tpu.memory_space<semaphore_mem>>) src(%arg6 : memref<16x128x128xf32, #tpu.memory_space<vmem_shared>>) dst(%dma_wait3A_31 : memref<16x128x128xf32, #tpu.memory_space<hbm>>)
      %semaphore_signal3A = arith.constant 1 : i32
      %semaphore_signal3A_32 = arith.constant 0 : i32
      tpu.sem_signal %arg9, %semaphore_signal3A core_id %arg0 subcore_id %semaphore_signal3A_32 : memref<!tpu.semaphore, #tpu.memory_space<semaphore_mem, sc_vector_subcore>>
    }
    %scan3A_4 = arith.constant 50 : i32
    return
  }
}

</mosaic_0001>

<sc_bundles>
// kernel: kernel.3.cloned.1.call-start
scs
__scs_entry_jumppad:
0x0: {  	(pc) =	sbr.rel $0x88, $3  }
0x1: {  	(tag) =	ssettag $0x0;
	lr =	simm.s32 $0x1  }
0x2: {  	[smem:$0x3F9F] =	sst lr;
	_ =	strace $0xD0000000  }
0x3: {  	_ = 	snop  }
0x4: {  	_ = 	snop  }
0x5: {  	_ = 	snop  }
0x6: {  	_ = 	snop  }
0x7: {  	_ = 	snop  }
__scs_overlays_trampoline_lowered:
0x8: {  	[smem:$0x3FAE] =	sst s0  }
0x9: {  	[smem:$0x3FAF] =	sst s1  }
0xa: {  	[smem:$0x3FB0] =	sst s2  }
0xb: {  	[smem:$0x3FB1] =	sst s3  }
0xc: {  	[smem:$0x3FB2] =	sst s4  }
0xd: {  	[smem:$0x3FB3] =	sst s5  }
0xe: {  	[smem:$0x3FB4] =	sst s6  }
0xf: {  	[smem:$0x3FB5] =	sst s7  }
0x10: {  	[smem:$0x3FB6] =	sst s8  }
0x11: {  	[smem:$0x3FB7] =	sst s9;
	s0 =	simm.s32 @!p0 $0x0  }
0x12: {  	s1 =	sld [smem:$0x3F9D];
	s0 =	simm.s32 @p0 $0x1  }
0x13: {  	[smem:$0x3FB8] =	sst s0;
	s0 =	simm.s32 @!p1 $0x0  }
0x14: {  	s2 =	sld [smem:$0x3F9C];
	s0 =	simm.s32 @p1 $0x1  }
0x15: {  	[smem:$0x3FB9] =	sst s0;
	s0 =	simm.s32 @!p2 $0x0  }
0x16: {  	s3 =	sld [smem:$0x3FDB];
	s0 =	simm.s32 @p2 $0x1  }
0x17: {  	s4 =	simm.s32 $0x1BF5;
	[smem:$0x3FBB] =	sst s0  }
0x18: {  	s0 =	sld [smem:$0x3F9E];
	_ =	swait.ge [sflag:s4], $0x0  }
0x19: {  	s7 =	sld [smem:$0x3F9F]  }
0x1a: {  	s8 =	sadd.s32 $0xFFFFE003, lr  }
0x1b: {  	s9 =	sadd.s32 $0xFFFFFEF7, lr;
	s5 =	simm.s32 $0xFFFFFFFF;
	p2 =	slt.u32 s8, $0xFFFFF086  }
0x1c: {  	p1 =	slt.u32 s9, $0xF7A;
	s5 =	simm.s32 @!p2 $0x0  }
0x1d: {  	s5 =	simm.s32 @p1 $0x1;
	p0 =	seq.s32 s7, s2  }
0x1e: {  	s7 =	smul.u32 @!p0 $0xF7A, s2;
	p2 =	seq.s32 @!p0 s5, $0x0  }
0x1f: {  	s9 =	smul.u32 $0xF7A, s1;
	s8 =	simm.s32 @!p0 $0x1BF5;
	p2 =	por !p2, p0  }
0x20: {  	[sflag:s8] =	ssyncset.s32 @!p0 $0xFFFFF086;
	s6 =	sadd.s32 @!p0 s3, s7;
	s7 =	simm.s32 @!p0 $0x108  }
0x21: {  	s3 =	sadd.s32 s3, s9;
	s6 =	sadd.s32 @!p0 $0x88, s6;
	s7 =	simm.s32 @p2 $0x1082  }
0x22: {  	[simem:s7], [sflag:s8] =	dma.local @!p0 [hbm:s6], $0xF7A  }
0x23: {  	s9 =	sor.u32 $0xD0000000, s2;
	s6 =	simm.s32 $0x108;
	_ =	swait.ge @!p0 [sflag:s8], $0x0  }
0x24: {  	s3 =	sadd.s32 $0x88, s3;
	s6 =	simm.s32 @!p1 $0x1082;
	[sflag:s4] =	ssyncset.s32 $0xFFFFF086  }
0x25: {  	[simem:s6], [sflag:s4] =	dma.local [hbm:s3], $0xF7A  }
0x26: {  	[smem:$0x3F9F] =	sst s1;
	(tag) =	ssettag s2;
	_ =	strace s9  }
0x27: {  	s1 =	sld [smem:$0x3FAF]  }
0x28: {  	s2 =	sld [smem:$0x3FB0]  }
0x29: {  	s4 =	sld [smem:$0x3FB2]  }
0x2a: {  	p0 =	seq.s32 s5, $0x0;
	s5 =	sld [smem:$0x3FB3]  }
0x2b: {  	s6 =	sld [smem:$0x3FB4]  }
0x2c: {  	s7 =	sld [smem:$0x3FB5]  }
0x2d: {  	s3 =	simm.s32 $0x108;
	s8 =	sld [smem:$0x3FB6]  }
0x2e: {  	s3 =	simm.s32 @!p0 $0x1082;
	s9 =	sld [smem:$0x3FB7]  }
0x2f: {  	lr =	sadd.s32 s0, s3;
	s0 =	sld [smem:$0x3FAE]  }
0x30: {  	s3 =	sld [smem:$0x3FB1]  }
0x31: {  	[smem:$0x3FBA] =	sst s10  }
0x32: {  	s10 =	sld [smem:$0x3FB8];
	_ =	sdelay $0x3  }
0x33: {  	p0 =	seq.s32 s10, $0x1;
	s10 =	sld [smem:$0x3FBA];
	_ =	sdelay $0x3  }
0x34: {  	[smem:$0x3FBA] =	sst s10  }
0x35: {  	s10 =	sld [smem:$0x3FB9];
	_ =	sdelay $0x3  }
0x36: {  	p1 =	seq.s32 s10, $0x1;
	s10 =	sld [smem:$0x3FBA];
	_ =	sdelay $0x3  }
0x37: {  	[smem:$0x3FBA] =	sst s10  }
0x38: {  	s10 =	sld [smem:$0x3FBB]  }
0x39: {  	_ = 	snop;
	(pc) =	sbr.ind lr, $3  }
0x3a: {  	_ = 	snop  }
0x3b: {  	_ = 	snop  }
0x3c: {  	p2 =	seq.s32 s10, $0x1;
	s10 =	sld [smem:$0x3FBA]  }
0x3d: {  	_ =	shalt  }
0x3e: {  	_ =	shalt  }
0x3f: {  	_ =	shalt  }
0x40: {  	_ =	shalt  }
0x41: {  	_ =	shalt  }
0x42: {  	_ =	shalt  }
0x43: {  	_ =	shalt  }
0x44: {  	_ =	shalt  }
0x45: {  	_ =	shalt  }
0x46: {  	_ =	shalt  }
0x47: {  	_ =	shalt  }
0x48: {  	_ =	shalt  }
0x49: {  	_ =	shalt  }
0x4a: {  	_ =	shalt  }
0x4b: {  	_ =	shalt  }
0x4c: {  	_ =	shalt  }
0x4d: {  	_ =	shalt  }
0x4e: {  	_ =	shalt  }
0x4f: {  	_ =	shalt  }
0x50: {  	_ =	shalt  }
0x51: {  	_ =	shalt  }
0x52: {  	_ =	shalt  }
0x53: {  	_ =	shalt  }
0x54: {  	_ =	shalt  }
0x55: {  	_ =	shalt  }
0x56: {  	_ =	shalt  }
0x57: {  	_ =	shalt  }
0x58: {  	_ =	shalt  }
0x59: {  	_ =	shalt  }
0x5a: {  	_ =	shalt  }
0x5b: {  	_ =	shalt  }
0x5c: {  	_ =	shalt  }
0x5d: {  	_ =	shalt  }
0x5e: {  	_ =	shalt  }
0x5f: {  	_ =	shalt  }
0x60: {  	_ =	shalt  }
0x61: {  	_ =	shalt  }
0x62: {  	_ =	shalt  }
0x63: {  	_ =	shalt  }
0x64: {  	_ =	shalt  }
0x65: {  	_ =	shalt  }
0x66: {  	_ =	shalt  }
0x67: {  	_ =	shalt  }
0x68: {  	_ =	shalt  }
0x69: {  	_ =	shalt  }
0x6a: {  	_ =	shalt  }
0x6b: {  	_ =	shalt  }
0x6c: {  	_ =	shalt  }
0x6d: {  	_ =	shalt  }
0x6e: {  	_ =	shalt  }
0x6f: {  	_ =	shalt  }
0x70: {  	_ =	shalt  }
0x71: {  	_ =	shalt  }
0x72: {  	_ =	shalt  }
0x73: {  	_ =	shalt  }
0x74: {  	_ =	shalt  }
0x75: {  	_ =	shalt  }
0x76: {  	_ =	shalt  }
0x77: {  	_ =	shalt  }
0x78: {  	_ =	shalt  }
0x79: {  	_ =	shalt  }
0x7a: {  	_ =	shalt  }
0x7b: {  	_ =	shalt  }
0x7c: {  	_ =	shalt  }
0x7d: {  	_ =	shalt  }
0x7e: {  	_ =	shalt  }
0x7f: {  	_ =	shalt  }
0x80: {  	_ =	shalt  }
0x81: {  	_ =	shalt  }
0x82: {  	_ =	shalt  }
0x83: {  	_ =	shalt  }
0x84: {  	_ =	shalt  }
0x85: {  	_ =	shalt  }
0x86: {  	_ =	shalt  }
0x87: {  	_ =	shalt  }
.Lfunc_end0:
.L_simem_size_0:
called_computation_lowered:
.L_overlay_start_0:
0x88: {  	s2 =	sld [smem:$0x3FD9]  }
0x89: {  	s3 =	sld [smem:$0x3FFE];
	_ =	sdelay $0x1  }
0x8a: {  	s1 =	srdreg.scid  }
0x8b: {  	s0 =	sand.u32 $0x1, s1  }
0x8c: {  	s19 =	sshll.u32 s0, $0xA;
	s2 =	sadd.s32 s3, s2  }
0x8d: {  	s2 =	sadd.s32 s2, s19  }
0x8e: {  	s4 =	simm.s32 $0x0;
	[smem:$0x3FC6] =	sst s2  }
0x8f: {  	[smem:$0xF] =	sst s4  }
0x90: {  	s2 =	sld [smem:$0x3FC8]  }
0x91: {  	s20 =	sld [smem:$0x3FD0];
	(tm) =	ssettm $0x1  }
0x92: {  	s5 =	sld [smem:$0x3FFB];
	_ =	sdelay $0x3  }
0x93: {  	_ =	strace s5  }
0x94: {  	s5 =	sld [smem:$0x3FFC];
	_ =	sdelay $0x3  }
0x95: {  	_ =	strace s5  }
0x96: {  	s5 =	sld [smem:$0x3FFD];
	_ =	sdelay $0x3  }
0x97: {  	_ =	strace s5  }
0x98: {  	_ =	strace $0x8FFFFFFF  }
0x99: {  	s21 =	sld [smem:$0x3FDB];
	_ =	sdelay $0x2  }
0x9a: {  	s6 =	simm.s32 $_scs_section_size;
	s7 =	simm.s32 $_tile_overlayer_lowered  }
0x9b: {  	s22 =	simm.s32 $_size__tile_overlayer_lowered;
	s7 =	sshll.u32 s7, $0x1;
	s5 =	sadd.s32 s6, s21  }
0x9c: {  	s8 =	simm.s32 $0x1BFF;
	s6 =	sshll.u32 s22, $0x1;
	s7 =	sadd.s32 s7, s5  }
0x9d: {  	[timem:s4], [sflag:s8] =	dma.local [hbm:s7], s6  }
0x9e: {  	_ =	swait.ge [sflag:s8], s6  }
0x9f: {  	s6 =	ssub.s32 $0x0, s6;
	[sflag:s8] =	ssyncset.done $0x0  }
0xa0: {  	[sflag:s8] =	ssyncadd.s32 s6;
	_ =	sdelay $0x1  }
0xa1: {  	s23 =	simm.s32 $0x1B8B  }
0xa2: {  	_ =	swait.ge [sflag:s23], $0x1  }
0xa3: {  	[sflag:s23] =	ssyncset.done $0x0  }
0xa4: {  	s25 =	simm.s32 $0x1B8E;
	s24 =	sld [smem:$0x3FFE];
	[sflag:s23] =	ssyncadd.s32 $0xFFFFFFFF  }
0xa5: {  	s26 =	simm.s32 $execute0_lowered;
	[smem:$0x3FD2] =	sst s25  }
0xa6: {  	s7 =	sshll.u32 s26, $0x1;
	_ =	strace $0x80000046;
	[dreg:$0x1] =	wrdreg $0xFFFFFFFF  }
0xa7: {  	s28 =	simm.s32 $_size_execute0_lowered;
	s5 =	sadd.s32 s5, s7;
	[dreg:$0x0] =	wrdreg $0x0  }
0xa8: {  	s7 =	sshll.u32 s28, $0x1;
	[dreg:$0x2] =	wrdreg s5  }
0xa9: {  	[dreg:$0x3] =	wrdreg s7  }
0xaa: {  	[dreg:$0x4] =	wrdreg $0xC0  }
0xab: {  	_ =	task [dreg:s4], $0x5FFFF  }
0xac: {  	[dreg:$0x1] =	wrdreg $0xFFFFFFFF  }
0xad: {  	[dreg:$0x0] =	wrdreg $0x60  }
0xae: {  	[dreg:$0x2] =	wrdreg s24  }
0xaf: {  	[dreg:$0x3] =	wrdreg s2  }
0xb0: {  	[dreg:$0x4] =	wrdreg s20  }
0xb1: {  	[dreg:$0x5] =	wrdreg $0x164000  }
0xb2: {  	s3 =	simm.s32 $0xA;
	[dreg:$0x6] =	wrdreg $0x9  }
0xb3: {  	s29 =	smul.u32 $0x64000, s0;
	_ =	task.clear_ibuf [dreg:s4], $0x7FFFF;
	_ =	swait.ge [sflag:s3], $0x10  }
0xb4: {  	s9 =	simm.s32 $0xB;
	s8 =	simm.s32 $0x2C800;
	[sflag:s3] =	ssyncset.done $0x0  }
0xb5: {  	s5 =	simm.s32 $0xC8000;
	s2 =	sadd.s32 s29, s20;
	[sflag:s3] =	ssyncadd.s32 $0xFFFFFFF0  }
0xb6: {  	s7 =	simm.s32 $0x800;
	s30 =	sadd.s32 $0x0, s2;
	s4 =	simm.s32 $0x80  }
0xb7: {  	[hbm:s30@s5], [sflag:s9] =	dma.strided [spmem:s8@s7], $0x8000, s4, $0x10   }
0xb8: {  	_ =	swait.ge [sflag:s9], $0x8000  }
0xb9: {  	[sflag:s9] =	ssyncset.done $0x0  }
0xba: {  	[sflag:s9] =	ssyncadd.s32 $0xFFFF8000  }
0xbb: {  	s10 =	sld [smem:$0x0];
	_ =	sdelay $0x2  }
0xbc: {  	s11 =	sand.u32 $0x3, s1;
	s6 =	sshrl.u32 s1, $0x2  }
0xbd: {  	s11 =	sor.u32 $0x4, s11;
	s12 =	sadd.s32 s6, s10  }
0xbe: {  	s10 =	sshll.u32 s11, $0xE;
	s31 =	sshll.u32 s12, $0x11  }
0xbf: {  	s12 =	sor.u32 s31, s10  }
0xc0: {  	s11 =	simm.s32 $0x2000;
	s12 =	sor.u32 $0x1C09, s12  }
.LBB1_1:
0xc1: {  	[sflag:s12] =	ssyncadd.remote.s32 $0x1;
	_ =	sdelay $0x1  }
0xc2: {  	p0 =	sne.s32 s11, $0x62000;
	s12 =	smov.u32 s11;
	s11 =	sadd.s32 $0x2000, s11  }
0xc3: {  	_ =	swait.ge [sflag:s3], $0x10  }
0xc4: {  	[sflag:s3] =	ssyncset.done $0x0  }
0xc5: {  	s12 =	sadd.s32 s12, s2;
	[sflag:s3] =	ssyncadd.s32 $0xFFFFFFF0  }
0xc6: {  	[hbm:s12@s5], [sflag:s9] =	dma.strided [spmem:s8@s7], $0x8000, s4, $0x10   }
0xc7: {  	_ = 	snop  }
0xc8: {  	_ =	swait.ge [sflag:s9], $0x8000  }
0xc9: {  	[sflag:s9] =	ssyncset.done $0x0  }
0xca: {  	[sflag:s9] =	ssyncadd.s32 $0xFFFF8000  }
0xcb: {  	s12 =	sld [smem:$0x0];
	_ =	sdelay $0x3  }
.Ltmp0:
0xcc: {  	s12 =	sadd.s32 s6, s12;
	(pc) =	sbr.rel @p0 .LBB1_1-.Ltmp0, $3  }
0xcd: {  	s12 =	sshll.u32 s12, $0x11  }
0xce: {  	s12 =	sor.u32 s12, s10  }
0xcf: {  	s12 =	sor.u32 $0x1C09, s12  }
0xd0: {  	[sflag:s12] =	ssyncadd.remote.s32 $0x1  }
0xd1: {  	_ =	strace $0x90000046  }
0xd2: {  	s2 =	simm.s32 $0x9;
	_ =	strace $0x80000048  }
0xd3: {  	_ =	swait.ge [sflag:s2], $0x1  }
0xd4: {  	[sflag:s2] =	ssyncadd.s32 $0xFFFFFFFF  }
0xd5: {  	_ =	strace $0x90000048  }
0xd6: {  	_ =	sfence  }
0xd7: {  	s29 =	sld [smem:$0x0];
	_ =	sdelay $0x2  }
0xd8: {  	s1 =	sshll.u32 s1, $0xD  }
0xd9: {  	s1 =	sand.u32 $0x4000, s1;
	s2 =	sadd.s32 s6, s29  }
0xda: {  	s0 =	sor.u32 s1, s0;
	s30 =	sshll.u32 s2, $0x11  }
0xdb: {  	s0 =	sor.u32 s30, s0  }
0xdc: {  	s0 =	sadd.s32 $0x8F2B, s0  }
0xdd: {  	[sflag:s0] =	ssyncadd.remote.s32 $0x1  }
0xde: {  	_ =	sfence.sel $0xFFFF  }
0xdf: {  	[dreg:$0x0] =	wrdreg $0xFFFFFFFF;
	(pc) =	sbr.abs _section_cstart, $3  }
0xe0: {  	s31 =	simm.s32 $0x0;
	[dreg:$0x1] =	wrdreg $0xFFFFFFFF  }
0xe1: {  	_ =	task.clear_ibuf [dreg:s31], $0x2FFFF;
	_ =	strace $0x9FFFFFFF  }
0xe2: {  	(tm) =	ssettm $0x7FFFFFFF  }
0xe3: {  	_ =	shalt  }
tec
execute0_lowered:
.L_overlay_start_1:
0x0: {  	(tag) =	ssettag $0x1  }
0x1: {  	s1 =	rddreg [dreg:$0x0]  }
0x2: {  	s0 =	rddreg [dreg:$0x1]  }
0x3: {  	s5 =	srdreg.scid;
	s9 =	rddreg [dreg:$0x2]  }
0x4: {  	s7 =	stileid.u32;
	s6 =	rddreg [dreg:$0x3];
	s2 =	simm.s32 $0x0  }
0x5: {  	s12 =	simm.s32 $0x6400;
	s13 =	simm.s32 $0xA400;
	s15 =	simm.s32 $0xE400  }
0x6: {  	s17 =	simm.s32 $0x12400;
	s18 =	simm.s32 $0x1;
	s19 =	simm.s32 $0x2  }
0x7: {  	s20 =	simm.s32 $0x5;
	s28 =	simm.s32 $0x8;
	s29 =	simm.s32 $0x0  }
0x8: {  	s3 =	sand.u32 $0x1, s5;
	s4 =	smul.u32 $0xC800, s7;
	[smem:$0x7FF] =	sst s2  }
0x9: {  	s10 =	smul.u32 $0x640000, s7;
	s23 =	sshll.u32 s7, $0xE;
	s24 =	sand.u32 $0x3, s5  }
0xa: {  	s5 =	sshrl.u32 s5, $0x2;
	p0 =	sne.s32 s7, $0x0;
	s8 =	smul.u32 $0x6400, s3  }
0xb: {  	_ =	strace $0x80000047;
	s21 =	ssub.s32 $0x2, s3;
	s11 =	smul.u32 $0x320000, s3  }
0xc: {  	s14 =	sor.u32 $0x4, s24;
	s24 =	simm.s32 $0x4;
	s22 =	sshrl.u32 s21, $0x1  }
0xd: {  	s4 =	sadd.s32 s8, s4;
	s8 =	ssub.s32 s21, s22;
	s25 =	sadd.s32 s11, s10  }
0xe: {  	s21 =	simm.s32 $0x100000;
	s22 =	sshll.u32 s14, $0xE;
	s4 =	sshrl.u32 s4, $0x3  }
0xf: {  	s26 =	smax.u32 s8, $0x1;
	s30 =	sor.u32 $0xC000, s25;
	s10 =	sor.u32 $0x8000, s25  }
0x10: {  	s11 =	sor.u32 $0x4000, s25;
	s25 =	simm.s32 $0x6;
	s1 =	sadd.s32 s4, s1  }
.Ltmp1:
0x11: {  	s4 =	sadd.s32 s23, s6;
	[dreg:$0x6] =	wrdreg s26;
	(pc) =	sbr.rel .LBB2_1-.Ltmp1, $4  }
0x12: {  	s8 =	sshrl.u32 s30, $0x3;
	s10 =	sshrl.u32 s10, $0x3;
	s31 =	sshrl.u32 s11, $0x3  }
0x13: {  	s11 =	simm.s32 $0x80;
	s23 =	simm.s32 $0x3;
	s1 =	sadd.s32 $0x400, s1  }
0x14: {  	s26 =	simm.s32 $0x7;
	[dreg:$0x5] =	wrdreg s1;
	s1 =	sadd.s32 s8, s9  }
0x15: {  	s8 =	sadd.s32 s10, s9;
	s9 =	sadd.s32 s31, s9;
	s10 =	simm.s32 $0xA  }
.LBB2_4:
0x16: {  	_ =	swait.ge [sflag:s26], $0x4000  }
0x17: {  	[sflag:s26] =	ssyncset.done $0x0  }
0x18: {  	[sflag:s26] =	ssyncadd.s32 $0xFFFFC000  }
0x19: {  	_ =	swait.ge [sflag:s28], $0x4000  }
0x1a: {  	[sflag:s28] =	ssyncset.done $0x0  }
0x1b: {  	s3 =	simm.s32 @!p0 $0x9;
	[sflag:s28] =	ssyncadd.s32 $0xFFFFC000  }
0x1c: {  	_ =	swait.ge @!p0 [sflag:s3], $0x1  }
0x1d: {  	s29 =	sadd.s32 $0x1, s29;
	s6 =	rddreg [dreg:$0x6]  }
0x1e: {  	p1 =	sne.s32 s29, s6  }
.Ltmp2:
0x1f: {  	_ = 	snop;
	(pc) =	sbr.rel @!p1 .LBB2_5-.Ltmp2, $3  }
0x20: {  	_ =	sdelay $0x1  }
0x21: {  	[sflag:s3] =	ssyncset.done @!p0 $0x0  }
0x22: {  	[sflag:s3] =	ssyncadd.s32 @!p0 $0xFFFFFFFF  }
.LBB2_1:
0x23: {  	s3 =	rddreg [dreg:$0x5]  }
0x24: {  	[tilespmem:s2], [sflag:$0xA] =	stream.linear.gather [hbm4b:s3+s2], $0x6400, $0x38;
	[tilespmem:$0x1A400] =	vst v63  }
0x25: {  	_ =	swait.ge [sflag:s10], $0x6400  }
0x26: {  	[sflag:s10] =	ssyncset.done $0x0  }
0x27: {  	[sflag:s10] =	ssyncadd.s32 $0xFFFF9C00  }
0x28: {  	[tilespmem:s12], [sflag:$0x1] =	stream.indirect.gather [hbm4b:s0+s11], $0x80, s2, s11, $0xb8;
	[tilespmem:$0x1A400] =	vst v63  }
0x29: {  	_ = 	snop  }
0x2a: {  	[tilespmem:s13], [sflag:$0x2] =	stream.indirect.gather [hbm4b:s0+s11], $0x80, s11, s11, $0xb8;
	[tilespmem:$0x1A400] =	vst v63  }
0x2b: {  	s14 =	simm.s32 $0x100;
	s16 =	simm.s32 $0x180;
	s30 =	smov.u32 s9  }
0x2c: {  	[tilespmem:s15], [sflag:$0x3] =	stream.indirect.gather [hbm4b:s0+s11], $0x80, s14, s11, $0xb8;
	[tilespmem:$0x1A400] =	vst v63  }
0x2d: {  	s31 =	smov.u32 s8;
	s7 =	smov.u32 s1;
	s14 =	simm.s32 $0x0  }
0x2e: {  	[tilespmem:s17], [sflag:$0x4] =	stream.indirect.gather [hbm4b:s0+s11], $0x80, s16, s11, $0xb8;
	[tilespmem:$0x1A400] =	vst v63  }
.LBB2_2:
0x2f: {  	p1 =	seq.s32 @!p0 s14, $0x0  }
0x30: {  	p1 =	por p1, p0  }
0x31: {  	s16 =	simm.s32 @!p1 $0x9  }
0x32: {  	_ =	swait.ge @!p1 [sflag:s16], $0x1  }
0x33: {  	[sflag:s16] =	ssyncset.done @!p1 $0x0  }
0x34: {  	[sflag:s16] =	ssyncadd.s32 @!p1 $0xFFFFFFFF  }
0x35: {  	[bflag:$0x0] =	sbarrier.arrive $0xFFFF  }
0x36: {  	_ =	swait.ge [sflag:s18], $0x4000  }
0x37: {  	[sflag:s18] =	ssyncset.done $0x0  }
0x38: {  	[sflag:s18] =	ssyncadd.s32 $0xFFFFC000  }
0x39: {  	[spmem:s4] =	stream.linear.scatter [tilespmem:s12], [sflag:$0x5], $0x4000, $0x38;
	[tilespmem:$0x1A400] =	vst v63  }
0x3a: {  	_ =	swait.ge [sflag:s19], $0x4000  }
0x3b: {  	[sflag:s19] =	ssyncset.done $0x0  }
0x3c: {  	[sflag:s19] =	ssyncadd.s32 $0xFFFFC000  }
0x3d: {  	[hbm4b:s30+s2] =	stream.linear.scatter [tilespmem:s13], [sflag:$0x6], $0x4000, $0x38;
	[tilespmem:$0x1A400] =	vst v63  }
0x3e: {  	_ =	swait.ge [sflag:s20], $0x4000  }
0x3f: {  	[sflag:s20] =	ssyncset.done $0x0  }
0x40: {  	[sflag:s20] =	ssyncadd.s32 $0xFFFFC000  }
0x41: {  	[smem:s21], [sflag:$0x0] =	smem.add.s32 $0x0  }
0x42: {  	_ =	swait.done [sflag:s2]  }
0x43: {  	s6 =	ssyncread [sflag:$0x0];
	_ =	sdelay $0x2  }
0x44: {  	s16 =	sadd.s32 s5, s6  }
0x45: {  	s16 =	sshll.u32 s16, $0x11  }
0x46: {  	[sflag:s2] =	ssyncset.s32 $0x0;
	s16 =	sor.u32 s16, s22  }
0x47: {  	p1 =	seq.s32 s14, $0x18800;
	[sflag:s2] =	ssyncset.done $0x0;
	s16 =	sor.u32 $0xA, s16  }
0x48: {  	[sflag:s16] =	ssyncadd.remote.s32 $0x1;
	s16 =	sshra.s32 @!p1 s14, $0x2  }
0x49: {  	s3 =	simm.s32 @!p1 $0x80;
	s6 =	simm.s32 @!p1 $0x6400;
	s16 =	sadd.s32 @!p1 $0x200, s16  }
0x4a: {  	[tilespmem:s6], [sflag:$0x1] =	stream.indirect.gather @!p1 [hbm4b:s0+s3], $0x80, s16, s3, $0xb8;
	[tilespmem:$0x1A400] =	vst v63  }
0x4b: {  	_ =	swait.ge [sflag:s23], $0x4000  }
0x4c: {  	[sflag:s23] =	ssyncset.done $0x0  }
0x4d: {  	[sflag:s23] =	ssyncadd.s32 $0xFFFFC000  }
0x4e: {  	[hbm4b:s31+s2] =	stream.linear.scatter [tilespmem:s15], [sflag:$0x7], $0x4000, $0x38;
	[tilespmem:$0x1A400] =	vst v63  }
0x4f: {  	_ =	swait.ge [sflag:s24], $0x4000  }
0x50: {  	[sflag:s24] =	ssyncset.done $0x0  }
.Ltmp3:
0x51: {  	[sflag:s24] =	ssyncadd.s32 $0xFFFFC000;
	(pc) =	sbr.rel @p1 .LBB2_4-.Ltmp3, $4  }
0x52: {  	[hbm4b:s7+s2] =	stream.linear.scatter [tilespmem:s17], [sflag:$0x8], $0x4000, $0x38;
	[tilespmem:$0x1A400] =	vst v63  }
0x53: {  	_ =	swait.ge [sflag:s25], $0x4000  }
0x54: {  	[sflag:s25] =	ssyncset.done $0x0  }
0x55: {  	[sflag:s25] =	ssyncadd.s32 $0xFFFFC000  }
0x56: {  	s3 =	sshra.s32 s14, $0x2  }
0x57: {  	s6 =	sadd.s32 $0x280, s3  }
0x58: {  	[tilespmem:s13], [sflag:$0x2] =	stream.indirect.gather [hbm4b:s0+s11], $0x80, s6, s11, $0xb8;
	[tilespmem:$0x1A400] =	vst v63  }
0x59: {  	_ =	swait.ge [sflag:s26], $0x4000  }
0x5a: {  	[sflag:s26] =	ssyncset.done $0x0  }
0x5b: {  	s16 =	sadd.s32 $0x300, s3;
	[sflag:s26] =	ssyncadd.s32 $0xFFFFC000  }
0x5c: {  	[tilespmem:s15], [sflag:$0x3] =	stream.indirect.gather [hbm4b:s0+s11], $0x80, s16, s11, $0xb8;
	[tilespmem:$0x1A400] =	vst v63  }
.Ltmp4:
0x5d: {  	_ = 	snop;
	(pc) =	sbr.rel .LBB2_2-.Ltmp4, $4  }
0x5e: {  	s14 =	sadd.s32 $0x800, s14;
	_ =	swait.ge [sflag:s28], $0x4000  }
0x5f: {  	s7 =	sadd.s32 $0x2000, s7;
	s31 =	sadd.s32 $0x2000, s31;
	[sflag:s28] =	ssyncset.done $0x0  }
0x60: {  	s30 =	sadd.s32 $0x2000, s30;
	s3 =	sadd.s32 $0x380, s3;
	[sflag:s28] =	ssyncadd.s32 $0xFFFFC000  }
0x61: {  	[tilespmem:s17], [sflag:$0x4] =	stream.indirect.gather [hbm4b:s0+s11], $0x80, s3, s11, $0xb8;
	[tilespmem:$0x1A400] =	vst v63  }
.LBB2_5:
0x62: {  	_ =	sfence.sel $0x180000  }
0x63: {  	[bflag:$0x0] =	sbarrier.arrive $0xFFFF  }
0x64: {  	_ =	strace $0x90000047  }
0x65: {  	[bflag:$0x2] =	sbarrier.arrive $0xFFFF  }
0x66: {  	s0 =	rddreg [dreg:$0x4]  }
0x67: {  	s0 =	sadd.s32 @!p0 $0x100000, s0  }
0x68: {  	[sflag:s0] =	ssyncadd.tile.s32 @!p0 $0x1;
	_ =	shalt  }
.Lfunc_end2:
_tile_overlayer_lowered:
.L_overlay_start_2:
0x69: {  	(tag) =	ssettag $0x2  }
0x6a: {  	s0 =	rddreg [dreg:$0x0];
	s2 =	stileid.u32  }
0x6b: {  	s1 =	rddreg [dreg:$0x1];
	p0 =	sne.s32 s2, $0x0  }
0x6c: {  	s3 =	rddreg [dreg:$0x2];
	[bflag:$0x3] =	sbarrier.arrive $0xFFFF;
	s2 =	simm.s32 @!p0 $0x1C0A  }
0x6d: {  	[timem:s3], [sflag:s2] =	dma.local @!p0 [hbm:s0], s1  }
0x6e: {  	s0 =	simm.s32 @!p0 $0xA  }
0x6f: {  	_ =	swait.ge @!p0 [sflag:s0], s1  }
0x70: {  	s1 =	ssub.s32 @!p0 $0x0, s1;
	[sflag:s0] =	ssyncset.done @!p0 $0x0  }
0x71: {  	[sflag:s0] =	ssyncadd.s32 @!p0 s1  }
0x72: {  	[bflag:$0x3] =	sbarrier.arrive $0xFFFF  }
0x73: {  	_ =	shalt  }

</sc_bundles>
